<compile_context>
chip_gen: v7x
topology: tpu7x:2x2x1
jax: 0.10.2.dev20260603
libtpu: 0.0.44.dev20260713+nightly
codegen_flags: <defaults>
</compile_context>

<pallas_src>
import functools

import jax
import jax.numpy as jnp
from jax import lax
from jax.experimental import pallas as pl
from jax.experimental.pallas import tpu as pltpu
from jax.experimental.pallas import tpu_sc as plsc

B = 4
T = 4096
VOCAB = 256
BYTE_DIM = 32
NUM_SCALES = 8
EMBED_PER_SCALE = 16
BUCKETS = 65536
COMBO_BUCKETS = 65536
COMBO_DIM = 16
CONV_K = 4
MATCH_OFFSETS = (1, 2, 4, 8)
SCAN_DIM = 32
HASH_DIM = 80
FEAT_DIM = 116

TR = T // 128

def _pow_consts():
    p = 1000003
    out = []
    for _ in range(1, NUM_SCALES):
        out.append(p if p < 2**31 else p - 2**32)
        p = (p * p) % (2**32)
    return tuple(out)

_P_POWS = _pow_consts()

NW = 32
CHUNK1 = T
CHUNK2 = (B * T) // NW
IDXW = 128
N1 = CHUNK1 // IDXW
N2 = CHUNK2 // IDXW


def _shift_tok(x, w):
    return jnp.concatenate(
        [jnp.zeros((B, w), x.dtype), x[:, : T - w]], axis=1)


def _idx_body(chars_ref, idx1_ref, idx2_ref):
    h = chars_ref[...]
    combo = h
    idx1_ref[pl.ds(0, B)] = h & (BUCKETS - 1)
    for s in range(1, NUM_SCALES):
        w = 1 << (s - 1)
        h = h + _P_POWS[s - 1] * _shift_tok(h, w)
        combo = combo ^ h
        idx1_ref[pl.ds(B * s, B)] = h & (BUCKETS - 1)
    idx2_ref[...] = combo & (COMBO_BUCKETS - 1)


_IDX_SPECS = dict(
    out_shape=(
        jax.ShapeDtypeStruct((NW, T), jnp.int32),
        jax.ShapeDtypeStruct((B, T), jnp.int32),
    ),
)


def _sc_gather(pyr_tables, combo_table, idx1, idx2):
    mesh = plsc.VectorSubcoreMesh(core_axis_name="c", subcore_axis_name="s")

    @functools.partial(
        pl.kernel,
        mesh=mesh,
        out_type=(
            jax.ShapeDtypeStruct((B, T, NUM_SCALES * EMBED_PER_SCALE),
                                 jnp.float32),
            jax.ShapeDtypeStruct((B, T, COMBO_DIM), jnp.float32),
        ),
        scratch_types=[
            pltpu.VMEM((CHUNK1,), jnp.int32),
            pltpu.VMEM((CHUNK1, EMBED_PER_SCALE), jnp.float32),
            pltpu.VMEM((CHUNK2,), jnp.int32),
            pltpu.VMEM((CHUNK2, COMBO_DIM), jnp.float32),
            pltpu.SemaphoreType.DMA,
        ],
        compiler_params=pltpu.CompilerParams(use_tc_tiling_on_sc=False),
    )
    def k(pyr_hbm, combo_hbm, idx1_hbm, idx2_hbm, out1_hbm, out2_hbm,
          idx1_v, rows1_v, idx2_v, rows2_v, sem):
        wid = lax.axis_index("s") * 2 + lax.axis_index("c")
        s_id = wid // 4
        b_id = wid % 4
        pltpu.sync_copy(idx1_hbm.at[wid], idx1_v)
        pltpu.sync_copy(
            idx2_hbm.at[wid // 8].at[pl.ds((wid % 8) * CHUNK2, CHUNK2)],
            idx2_v)
        table = pyr_hbm.at[s_id]

        @pl.loop(0, N1)
        def _(j):
            pltpu.async_copy(
                table.at[idx1_v.at[pl.ds(j * IDXW, IDXW)]],
                rows1_v.at[pl.ds(j * IDXW, IDXW)], sem
            ).wait()

        @pl.loop(0, N2)
        def _(j):
            pltpu.async_copy(
                combo_hbm.at[idx2_v.at[pl.ds(j * IDXW, IDXW)]],
                rows2_v.at[pl.ds(j * IDXW, IDXW)], sem
            ).wait()

        pltpu.sync_copy(
            rows1_v,
            out1_hbm.at[b_id, :, pl.ds(s_id * EMBED_PER_SCALE,
                                       EMBED_PER_SCALE)])
        pltpu.sync_copy(
            rows2_v,
            out2_hbm.at[wid // 8].at[pl.ds((wid % 8) * CHUNK2, CHUNK2)])

    return k(pyr_tables, combo_table, idx1, idx2)


def _sig(x):
    return 1.0 / (1.0 + jnp.exp(-x))


def _dense_body(chars_ref, g1_ref, g2_ref, byte_embedT_ref, gate_bias_ref,
                convw_ref, convb_ref, scan_win_ref, scan_a_ref,
                scan_wout_ref, out_w_ref, out_b_ref, out_ref):
    ch2 = chars_ref[pl.ds(pl.program_id(0), 1), :]

    vocab_iota = lax.broadcasted_iota(jnp.int32, (VOCAB, T), 0)
    onehotT = (ch2 == vocab_iota).astype(jnp.float32)
    byte_emb = jnp.transpose(
        jnp.dot(byte_embedT_ref[...], onehotT,
                preferred_element_type=jnp.float32))

    gp = g1_ref[0]
    gb_all = gate_bias_ref[...]
    parts = []
    for i in range(NUM_SCALES // 2):
        val = gp[:, 32 * i: 32 * i + 16]
        gate = gp[:, 32 * i + 16: 32 * i + 32]
        parts.append(val * _sig(gate + gb_all[i:i + 1]))
    hf = jnp.concatenate(parts + [g2_ref[0]], axis=1)

    w_all = convw_ref[...]
    acc = hf * w_all[CONV_K - 1:CONV_K]
    for j in range(CONV_K - 1):
        m = CONV_K - 1 - j
        shifted = jnp.concatenate(
            [jnp.zeros((m, HASH_DIM), jnp.float32), hf[: T - m]], axis=0)
        acc = acc + shifted * w_all[j:j + 1]
    acc = acc + convb_ref[...]
    hf2 = acc * _sig(acc)

    mfs = []
    for k in MATCH_OFFSETS:
        shifted = jnp.concatenate(
            [jnp.full((1, k), -1, jnp.int32), ch2[:, : T - k]], axis=1)
        mfs.append((ch2 == shifted).astype(jnp.float32))
    mf = jnp.transpose(jnp.concatenate(mfs, axis=0))

    h = jnp.concatenate([byte_emb, hf2, mf], axis=1)

    u = jnp.dot(h, scan_win_ref[...], preferred_element_type=jnp.float32)
    d = _sig(scan_a_ref[...])
    x = (1.0 - d) * u
    dp = d
    sh = 1
    while sh < T:
        shifted = jnp.concatenate(
            [jnp.zeros((sh, SCAN_DIM), jnp.float32), x[: T - sh]], axis=0)
        x = x + dp * shifted
        dp = dp * dp
        sh *= 2
    hs = x

    h2 = h + jnp.dot(hs, scan_wout_ref[...], preferred_element_type=jnp.float32)
    out = jnp.dot(h2, out_w_ref[...], preferred_element_type=jnp.float32)
    out_ref[0] = out + out_b_ref[...]


_DENSE_SPECS = dict(
    grid=(B,),
    in_specs=[
        pl.BlockSpec((B, T), lambda b: (0, 0)),
        pl.BlockSpec((1, T, NUM_SCALES * EMBED_PER_SCALE),
                     lambda b: (b, 0, 0)),
        pl.BlockSpec((1, T, COMBO_DIM), lambda b: (b, 0, 0)),
        pl.BlockSpec((BYTE_DIM, VOCAB), lambda b: (0, 0)),
        pl.BlockSpec((NUM_SCALES // 2, EMBED_PER_SCALE), lambda b: (0, 0)),
        pl.BlockSpec((CONV_K, HASH_DIM), lambda b: (0, 0)),
        pl.BlockSpec((1, HASH_DIM), lambda b: (0, 0)),
        pl.BlockSpec((FEAT_DIM, SCAN_DIM), lambda b: (0, 0)),
        pl.BlockSpec((1, SCAN_DIM), lambda b: (0, 0)),
        pl.BlockSpec((SCAN_DIM, FEAT_DIM), lambda b: (0, 0)),
        pl.BlockSpec((FEAT_DIM, VOCAB), lambda b: (0, 0)),
        pl.BlockSpec((1, VOCAB), lambda b: (0, 0)),
    ],
    out_specs=pl.BlockSpec((1, T, VOCAB), lambda b: (b, 0, 0)),
    out_shape=jax.ShapeDtypeStruct((B, T, VOCAB), jnp.float32),
    compiler_params=pltpu.CompilerParams(
        dimension_semantics=("parallel",)),
)


def kernel(chars, byte_embed, pyr_tables, combo_table, gate_bias, conv_w,
           conv_b, scan_win, scan_a, scan_wout, out_w, out_b):
    idx1, idx2 = pl.pallas_call(_idx_body, **_IDX_SPECS)(chars)
    g1, g2 = _sc_gather(pyr_tables, combo_table, idx1, idx2)
    out = pl.pallas_call(_dense_body, **_DENSE_SPECS)(
        chars,
        g1,
        g2,
        jnp.transpose(byte_embed),
        gate_bias,
        jnp.transpose(conv_w[:, 0, :]),
        conv_b.reshape(1, HASH_DIM),
        scan_win,
        scan_a.reshape(1, SCAN_DIM),
        scan_wout,
        out_w,
        out_b.reshape(1, VOCAB),
    )
    return out

# --- scband reference (transcript-rebuilt; emitter-appended) ---
"""Pipeline reference for scband-poly-hash-v10-87016037416978 (READ-ONLY COPY).

The authoritative reference and input builder live on the scoring server;
editing this copy changes nothing except your own understanding.
"""

import jax, jax.numpy as jnp
import numpy as np

VOCAB = 256
BYTE_DIM = 32
NUM_SCALES = 8
EMBED_PER_SCALE = 16
BUCKETS = 65536
COMBO_BUCKETS = 65536
COMBO_DIM = 16
CONV_K = 4
MATCH_OFFSETS = (1, 2, 4, 8)
SCAN_DIM = 32
HASH_DIM = 80  # (NUM_SCALES//2)*EMBED_PER_SCALE + COMBO_DIM
FEAT_DIM = 116  # BYTE_DIM + HASH_DIM + len(MATCH_OFFSETS)
B, T = 4, 4096


def setup_inputs(seed: int = 0):
    key = jax.random.key(seed)
    ks = jax.random.split(key, 12)
    chars = jax.random.randint(ks[0], (B, T), 0, VOCAB).astype(jnp.int32)

    def nrm(k, shape, std=0.02):
        return jax.random.normal(k, shape, dtype=jnp.float32) * std

    return {
        'chars': chars,
        'byte_embed': nrm(ks[1], (VOCAB, BYTE_DIM)),
        'pyr_tables': nrm(ks[2], (NUM_SCALES, BUCKETS, EMBED_PER_SCALE)),
        'combo_table': nrm(ks[3], (COMBO_BUCKETS, COMBO_DIM)),
        'gate_bias': jnp.zeros((NUM_SCALES // 2, EMBED_PER_SCALE), jnp.float32),
        'conv_w': nrm(ks[4], (HASH_DIM, 1, CONV_K), 0.1),
        'conv_b': jnp.zeros((HASH_DIM,), jnp.float32),
        'scan_win': nrm(ks[5], (FEAT_DIM, SCAN_DIM), 0.05),
        'scan_a': jnp.zeros((SCAN_DIM,), jnp.float32),
        'scan_wout': nrm(ks[6], (SCAN_DIM, FEAT_DIM), 0.05),
        'out_w': nrm(ks[7], (FEAT_DIM, VOCAB), 0.05),
        'out_b': jnp.zeros((VOCAB,), jnp.float32),
    }


def _hash_keys(chars):
    # rolling polynomial hash pyramid: window at scale s is 2**s;
    # doubling identity h_{2w}(t) = h_w(t) + P**w * h_w(t-w) (int32 wraparound)
    h = chars.astype(jnp.int32)
    keys = [h]
    Pw = jnp.int32(1000003)
    for s in range(1, NUM_SCALES):
        w = 1 << (s - 1)
        shifted = jnp.pad(h, ((0, 0), (w, 0)))[:, :T]
        h = h + Pw * shifted
        keys.append(h)
        Pw = Pw * Pw
    return keys


def _forward(chars, byte_embed, pyr_tables, combo_table, gate_bias, conv_w, conv_b,
             scan_win, scan_a, scan_wout, out_w, out_b):
    keys = _hash_keys(chars)
    byte_emb = byte_embed[chars]  # [B,T,BYTE_DIM]
    # pyramid embedding lookups per scale
    scale_embeds = jnp.stack(
        [pyr_tables[s][jnp.mod(keys[s], BUCKETS)] for s in range(NUM_SCALES)], axis=2
    )  # [B,T,S,E]
    # PairwiseGate
    parts = []
    for i in range(NUM_SCALES // 2):
        val = scale_embeds[:, :, 2 * i]
        gate = scale_embeds[:, :, 2 * i + 1]
        parts.append(val * jax.nn.sigmoid(gate + gate_bias[i]))
    hash_feat = jnp.concatenate(parts, axis=-1)  # [B,T,64]
    # ComboTable (num_combo_tables=1 -> t_idx==0 branch: XOR of all scale keys)
    combo = keys[0]
    for k in keys[1:]:
        combo = jnp.bitwise_xor(combo, k)
    combo_feat = combo_table[jnp.mod(combo, COMBO_BUCKETS)]  # [B,T,16]
    hash_feat = jnp.concatenate([hash_feat, combo_feat], axis=-1)  # [B,T,80]
    # causal depthwise conv + silu
    ht = jnp.transpose(hash_feat, (0, 2, 1))  # [B,C,T]
    conv = jax.lax.conv_general_dilated(
        ht, conv_w, (1,), [(CONV_K - 1, 0)],
        feature_group_count=HASH_DIM, dimension_numbers=('NCH', 'OIH', 'NCH'))
    conv = conv + conv_b[None, :, None]
    hash_feat = jnp.transpose(jax.nn.silu(conv), (0, 2, 1))
    # match features
    mfs = []
    for k in MATCH_OFFSETS:
        shifted = jnp.pad(chars, ((0, 0), (k, 0)))[:, :T]
        m = (chars == shifted).astype(jnp.float32)
        m = m.at[:, :k].set(0.0)
        mfs.append(m)
    mf = jnp.stack(mfs, axis=-1)  # [B,T,4]
    h = jnp.concatenate([byte_emb, hash_feat, mf], axis=-1)  # [B,T,116]
    # TinyScan: gated EMA linear recurrence with residual
    u = h @ scan_win  # [B,T,SCAN_DIM]
    d = jax.nn.sigmoid(scan_a)

    def step(c, ut):
        c = d * c + (1.0 - d) * ut
        return c, c

    _, hs = jax.lax.scan(step, jnp.zeros((B, SCAN_DIM), jnp.float32), jnp.swapaxes(u, 0, 1))
    hs = jnp.swapaxes(hs, 0, 1)
    h = h + hs @ scan_wout
    return h @ out_w + out_b  # [B,T,VOCAB]


def reference(chars, byte_embed, pyr_tables, combo_table, gate_bias, conv_w, conv_b,
              scan_win, scan_a, scan_wout, out_w, out_b):
    return _forward(chars, byte_embed, pyr_tables, combo_table, gate_bias, conv_w, conv_b,
                    scan_win, scan_a, scan_wout, out_w, out_b)

if __name__ == "__main__":
    import jax
    _d = setup_inputs()
    print(jax.jit(kernel)(*tuple(_d.values())))

</pallas_src>

<mosaic_0001>
#map = affine_map<(d0, d1) -> (0, 0, 0)>
#map1 = affine_map<(d0, d1) -> (0, 0)>
module attributes {stable_mosaic.version = 14 : i64} {
  func.func @k(%arg0: i32, %arg1: i32, %arg2: memref<8x65536x16xf32, #tpu.memory_space<hbm>>, %arg3: memref<65536x16xf32, #tpu.memory_space<hbm>>, %arg4: memref<32x4096xi32, #tpu.memory_space<hbm>>, %arg5: memref<4x4096xi32, #tpu.memory_space<hbm>>, %arg6: memref<4x4096x128xf32, #tpu.memory_space<hbm>>, %arg7: memref<4x4096x16xf32, #tpu.memory_space<hbm>>, %arg8: memref<4096xi32, #tpu.memory_space<vmem>>, %arg9: memref<4096x16xf32, #tpu.memory_space<vmem>>, %arg10: memref<512xi32, #tpu.memory_space<vmem>>, %arg11: memref<512x16xf32, #tpu.memory_space<vmem>>, %arg12: memref<!tpu.dma_semaphore, #tpu.memory_space<semaphore_mem>>) attributes {dimension_semantics = [#tpu.dimension_semantics<core_parallel>, #tpu.dimension_semantics<subcore_parallel>], iteration_bounds = array<i64: 2, 16>, scalar_prefetch = 0 : i64, scratch_operands = 5 : i64, tpu.core_type = #tpu.core_type<sc_vector_subcore>, window_params = [{transform_indices = #map}, {transform_indices = #map1}, {transform_indices = #map1}, {transform_indices = #map1}, {transform_indices = #map}, {transform_indices = #map}]} {
    %mul3A = arith.constant 2 : i32
    %mul3A_0 = arith.muli %arg1, %mul3A : i32
    %add3A = arith.addi %mul3A_0, %arg0 : i32
    %jit3A = arith.constant 4 : i32
    %div3A = arith.divsi %add3A, %jit3A : i32
    %sign3A = arith.constant 0 : i32
    %sign3A_1 = arith.cmpi sgt, %add3A, %sign3A : i32
    %sign3A_2 = arith.extui %sign3A_1 : i1 to i32
    %sign3A_3 = arith.constant 0 : i32
    %sign3A_4 = arith.cmpi slt, %add3A, %sign3A_3 : i32
    %sign3A_5 = arith.extui %sign3A_4 : i1 to i32
    %sign3A_6 = arith.subi %sign3A_2, %sign3A_5 : i32
    %sign3A_7 = arith.constant 0 : i32
    %sign3A_8 = arith.cmpi sgt, %jit3A, %sign3A_7 : i32
    %sign3A_9 = arith.extui %sign3A_8 : i1 to i32
    %sign3A_10 = arith.constant 0 : i32
    %sign3A_11 = arith.cmpi slt, %jit3A, %sign3A_10 : i32
    %sign3A_12 = arith.extui %sign3A_11 : i1 to i32
    %sign3A_13 = arith.subi %sign3A_9, %sign3A_12 : i32
    %ne3A = arith.cmpi ne, %sign3A_6, %sign3A_13 : i32
    %rem3A = arith.remsi %add3A, %jit3A : i32
    %ne3A_14 = arith.constant 0 : i32
    %ne3A_15 = arith.cmpi ne, %rem3A, %ne3A_14 : i32
    %and3A = arith.andi %ne3A, %ne3A_15 : i1
    %sub3A = arith.constant 1 : i32
    %sub3A_16 = arith.subi %div3A, %sub3A : i32
    %select_n3A = arith.select %and3A, %sub3A_16, %div3A : i32
    %jit3A_17 = arith.constant 4 : i32
    %eq3A = arith.constant 0 : i32
    %eq3A_18 = arith.cmpi eq, %jit3A_17, %eq3A : i32
    %jit3A_19 = arith.constant 1 : i32
    %select_n3A_20 = arith.select %eq3A_18, %jit3A_19, %jit3A_17 : i32
    %rem3A_21 = arith.remsi %add3A, %select_n3A_20 : i32
    %ne3A_22 = arith.constant 0 : i32
    %ne3A_23 = arith.cmpi ne, %rem3A_21, %ne3A_22 : i32
    %lt3A = arith.constant 0 : i32
    %lt3A_24 = arith.cmpi slt, %rem3A_21, %lt3A : i32
    %lt3A_25 = arith.constant 0 : i32
    %lt3A_26 = arith.cmpi slt, %select_n3A_20, %lt3A_25 : i32
    %ne3A_27 = arith.xori %lt3A_24, %lt3A_26 : i1
    %and3A_28 = arith.andi %ne3A_27, %ne3A_23 : i1
    %add3A_29 = arith.addi %rem3A_21, %select_n3A_20 : i32
    %select_n3A_30 = arith.select %and3A_28, %add3A_29, %rem3A_21 : i32
    "tpu.region"() ({
      %run_scoped3A = tpu.sem_alloc : memref<!tpu.dma_semaphore, #tpu.memory_space<semaphore_mem>>
      %dma_start3A = arith.constant 0 : i32
      %dma_start3A_126 = tpu.memref_slice %arg4[%add3A, %dma_start3A] : memref<32x4096xi32, #tpu.memory_space<hbm>> -> memref<1x4096xi32, #tpu.memory_space<hbm>>
      %dma_start3A_127 = tpu.memref_squeeze %dma_start3A_126 : memref<1x4096xi32, #tpu.memory_space<hbm>> -> memref<4096xi32, #tpu.memory_space<hbm>>
      %dma_start3A_128 = arith.constant 0 : i32
      %dma_start3A_129 = tpu.memref_slice %arg4[%add3A, %dma_start3A_128] : memref<32x4096xi32, #tpu.memory_space<hbm>> -> memref<1x4096xi32, #tpu.memory_space<hbm>>
      %dma_start3A_130 = tpu.memref_squeeze %dma_start3A_129 : memref<1x4096xi32, #tpu.memory_space<hbm>> -> memref<4096xi32, #tpu.memory_space<hbm>>
      tpu.enqueue_dma source(%dma_start3A_130 : memref<4096xi32, #tpu.memory_space<hbm>>) target(%arg8 : memref<4096xi32, #tpu.memory_space<vmem>>) target_semaphore(%run_scoped3A : memref<!tpu.dma_semaphore, #tpu.memory_space<semaphore_mem>>)
      %dma_wait3A = arith.constant 0 : i32
      %dma_wait3A_131 = tpu.memref_slice %arg4[%add3A, %dma_wait3A] : memref<32x4096xi32, #tpu.memory_space<hbm>> -> memref<1x4096xi32, #tpu.memory_space<hbm>>
      %dma_wait3A_132 = tpu.memref_squeeze %dma_wait3A_131 : memref<1x4096xi32, #tpu.memory_space<hbm>> -> memref<4096xi32, #tpu.memory_space<hbm>>
      %dma_wait3A_133 = arith.constant 0 : i32
      %dma_wait3A_134 = tpu.memref_slice %arg4[%add3A, %dma_wait3A_133] : memref<32x4096xi32, #tpu.memory_space<hbm>> -> memref<1x4096xi32, #tpu.memory_space<hbm>>
      %dma_wait3A_135 = tpu.memref_squeeze %dma_wait3A_134 : memref<1x4096xi32, #tpu.memory_space<hbm>> -> memref<4096xi32, #tpu.memory_space<hbm>>
      tpu.wait_dma2 semaphore(%run_scoped3A : memref<!tpu.dma_semaphore, #tpu.memory_space<semaphore_mem>>) src(%dma_wait3A_135 : memref<4096xi32, #tpu.memory_space<hbm>>) dst(%arg8 : memref<4096xi32, #tpu.memory_space<vmem>>)
      tpu.yield
    }) : () -> ()
    %jit3A_31 = arith.constant 8 : i32
    %div3A_32 = arith.divsi %add3A, %jit3A_31 : i32
    %sign3A_33 = arith.constant 0 : i32
    %sign3A_34 = arith.cmpi sgt, %add3A, %sign3A_33 : i32
    %sign3A_35 = arith.extui %sign3A_34 : i1 to i32
    %sign3A_36 = arith.constant 0 : i32
    %sign3A_37 = arith.cmpi slt, %add3A, %sign3A_36 : i32
    %sign3A_38 = arith.extui %sign3A_37 : i1 to i32
    %sign3A_39 = arith.subi %sign3A_35, %sign3A_38 : i32
    %sign3A_40 = arith.constant 0 : i32
    %sign3A_41 = arith.cmpi sgt, %jit3A_31, %sign3A_40 : i32
    %sign3A_42 = arith.extui %sign3A_41 : i1 to i32
    %sign3A_43 = arith.constant 0 : i32
    %sign3A_44 = arith.cmpi slt, %jit3A_31, %sign3A_43 : i32
    %sign3A_45 = arith.extui %sign3A_44 : i1 to i32
    %sign3A_46 = arith.subi %sign3A_42, %sign3A_45 : i32
    %ne3A_47 = arith.cmpi ne, %sign3A_39, %sign3A_46 : i32
    %rem3A_48 = arith.remsi %add3A, %jit3A_31 : i32
    %ne3A_49 = arith.constant 0 : i32
    %ne3A_50 = arith.cmpi ne, %rem3A_48, %ne3A_49 : i32
    %and3A_51 = arith.andi %ne3A_47, %ne3A_50 : i1
    %sub3A_52 = arith.constant 1 : i32
    %sub3A_53 = arith.subi %div3A_32, %sub3A_52 : i32
    %select_n3A_54 = arith.select %and3A_51, %sub3A_53, %div3A_32 : i32
    %jit3A_55 = arith.constant 8 : i32
    %eq3A_56 = arith.constant 0 : i32
    %eq3A_57 = arith.cmpi eq, %jit3A_55, %eq3A_56 : i32
    %jit3A_58 = arith.constant 1 : i32
    %select_n3A_59 = arith.select %eq3A_57, %jit3A_58, %jit3A_55 : i32
    %rem3A_60 = arith.remsi %add3A, %select_n3A_59 : i32
    %ne3A_61 = arith.constant 0 : i32
    %ne3A_62 = arith.cmpi ne, %rem3A_60, %ne3A_61 : i32
    %lt3A_63 = arith.constant 0 : i32
    %lt3A_64 = arith.cmpi slt, %rem3A_60, %lt3A_63 : i32
    %lt3A_65 = arith.constant 0 : i32
    %lt3A_66 = arith.cmpi slt, %select_n3A_59, %lt3A_65 : i32
    %ne3A_67 = arith.xori %lt3A_64, %lt3A_66 : i1
    %and3A_68 = arith.andi %ne3A_67, %ne3A_62 : i1
    %add3A_69 = arith.addi %rem3A_60, %select_n3A_59 : i32
    %select_n3A_70 = arith.select %and3A_68, %add3A_69, %rem3A_60 : i32
    %mul3A_71 = arith.constant 512 : i32
    %mul3A_72 = arith.muli %select_n3A_70, %mul3A_71 : i32
    "tpu.region"() ({
      %run_scoped3A = tpu.sem_alloc : memref<!tpu.dma_semaphore, #tpu.memory_space<semaphore_mem>>
      %dma_start3A = arith.constant 0 : i32
      %dma_start3A_126 = tpu.memref_slice %arg5[%select_n3A_54, %dma_start3A] : memref<4x4096xi32, #tpu.memory_space<hbm>> -> memref<1x4096xi32, #tpu.memory_space<hbm>>
      %dma_start3A_127 = tpu.memref_squeeze %dma_start3A_126 : memref<1x4096xi32, #tpu.memory_space<hbm>> -> memref<4096xi32, #tpu.memory_space<hbm>>
      %dma_start3A_128 = tpu.memref_slice %dma_start3A_127[%mul3A_72] : memref<4096xi32, #tpu.memory_space<hbm>> -> memref<512xi32, #tpu.memory_space<hbm>>
      %dma_start3A_129 = arith.constant 0 : i32
      %dma_start3A_130 = tpu.memref_slice %arg5[%select_n3A_54, %dma_start3A_129] : memref<4x4096xi32, #tpu.memory_space<hbm>> -> memref<1x4096xi32, #tpu.memory_space<hbm>>
      %dma_start3A_131 = tpu.memref_squeeze %dma_start3A_130 : memref<1x4096xi32, #tpu.memory_space<hbm>> -> memref<4096xi32, #tpu.memory_space<hbm>>
      %dma_start3A_132 = tpu.memref_slice %dma_start3A_131[%mul3A_72] : memref<4096xi32, #tpu.memory_space<hbm>> -> memref<512xi32, #tpu.memory_space<hbm>>
      tpu.enqueue_dma source(%dma_start3A_132 : memref<512xi32, #tpu.memory_space<hbm>>) target(%arg10 : memref<512xi32, #tpu.memory_space<vmem>>) target_semaphore(%run_scoped3A : memref<!tpu.dma_semaphore, #tpu.memory_space<semaphore_mem>>)
      %dma_wait3A = arith.constant 0 : i32
      %dma_wait3A_133 = tpu.memref_slice %arg5[%select_n3A_54, %dma_wait3A] : memref<4x4096xi32, #tpu.memory_space<hbm>> -> memref<1x4096xi32, #tpu.memory_space<hbm>>
      %dma_wait3A_134 = tpu.memref_squeeze %dma_wait3A_133 : memref<1x4096xi32, #tpu.memory_space<hbm>> -> memref<4096xi32, #tpu.memory_space<hbm>>
      %dma_wait3A_135 = tpu.memref_slice %dma_wait3A_134[%mul3A_72] : memref<4096xi32, #tpu.memory_space<hbm>> -> memref<512xi32, #tpu.memory_space<hbm>>
      %dma_wait3A_136 = arith.constant 0 : i32
      %dma_wait3A_137 = tpu.memref_slice %arg5[%select_n3A_54, %dma_wait3A_136] : memref<4x4096xi32, #tpu.memory_space<hbm>> -> memref<1x4096xi32, #tpu.memory_space<hbm>>
      %dma_wait3A_138 = tpu.memref_squeeze %dma_wait3A_137 : memref<1x4096xi32, #tpu.memory_space<hbm>> -> memref<4096xi32, #tpu.memory_space<hbm>>
      %dma_wait3A_139 = tpu.memref_slice %dma_wait3A_138[%mul3A_72] : memref<4096xi32, #tpu.memory_space<hbm>> -> memref<512xi32, #tpu.memory_space<hbm>>
      tpu.wait_dma2 semaphore(%run_scoped3A : memref<!tpu.dma_semaphore, #tpu.memory_space<semaphore_mem>>) src(%dma_wait3A_139 : memref<512xi32, #tpu.memory_space<hbm>>) dst(%arg10 : memref<512xi32, #tpu.memory_space<vmem>>)
      tpu.yield
    }) : () -> ()
    %scan3A = arith.constant 0 : i32
    %scan3A_73 = arith.constant 32 : i32
    %scan3A_74 = arith.addi %scan3A, %scan3A_73 : i32
    %scan3A_75 = arith.constant 1 : i32
    scf.for %scan3A_126 = %scan3A to %scan3A_74 step %scan3A_75  : i32 {
      %mul3A_127 = arith.constant 1 : i32
      %mul3A_128 = arith.muli %scan3A_126, %mul3A_127 : i32
      %add3A_129 = arith.constant 0 : i32
      %add3A_130 = arith.addi %add3A_129, %mul3A_128 : i32
      %mul3A_131 = arith.constant 128 : i32
      %mul3A_132 = arith.muli %add3A_130, %mul3A_131 : i32
      %mul3A_133 = arith.constant 128 : i32
      %mul3A_134 = arith.muli %add3A_130, %mul3A_133 : i32
      %dma_start3A = arith.constant 0 : i32
      %dma_start3A_135 = tpu.memref_slice %arg9[%mul3A_134, %dma_start3A] : memref<4096x16xf32, #tpu.memory_space<vmem>> -> memref<128x16xf32, #tpu.memory_space<vmem>>
      %dma_start3A_136 = tpu.memref_slice %arg8[%mul3A_132] : memref<4096xi32, #tpu.memory_space<vmem>> -> memref<128xi32, #tpu.memory_space<vmem>>
      %dma_start3A_137 = arith.constant 0 : i32
      %dma_start3A_138 = arith.constant 0 : i32
      %dma_start3A_139 = tpu.memref_slice %arg2[%select_n3A, %dma_start3A_137, %dma_start3A_138] : memref<8x65536x16xf32, #tpu.memory_space<hbm>> -> memref<1x65536x16xf32, #tpu.memory_space<hbm>>
      %dma_start3A_140 = tpu.memref_squeeze %dma_start3A_139 : memref<1x65536x16xf32, #tpu.memory_space<hbm>> -> memref<65536x16xf32, #tpu.memory_space<hbm>>
      %dma_start3A_141 = arith.constant 0 : i32
      %dma_start3A_142 = arith.constant 0 : i32
      %dma_start3A_143 = tpu.memref_slice %dma_start3A_140[%dma_start3A_141, %dma_start3A_142] : memref<65536x16xf32, #tpu.memory_space<hbm>> -> memref<65536x16xf32, #tpu.memory_space<hbm>>
      tpu.enqueue_indirect_dma source(%dma_start3A_143 : memref<65536x16xf32, #tpu.memory_space<hbm>>) target(%dma_start3A_135 : memref<128x16xf32, #tpu.memory_space<vmem>>) offsets(%dma_start3A_136 : memref<128xi32, #tpu.memory_space<vmem>>) semaphore(%arg12 : memref<!tpu.dma_semaphore, #tpu.memory_space<semaphore_mem>>)
      %dma_wait3A = arith.constant 0 : i32
      %dma_wait3A_144 = tpu.memref_slice %arg9[%mul3A_134, %dma_wait3A] : memref<4096x16xf32, #tpu.memory_space<vmem>> -> memref<128x16xf32, #tpu.memory_space<vmem>>
      %dma_wait3A_145 = tpu.memref_slice %arg8[%mul3A_132] : memref<4096xi32, #tpu.memory_space<vmem>> -> memref<128xi32, #tpu.memory_space<vmem>>
      %dma_wait3A_146 = arith.constant 0 : i32
      %dma_wait3A_147 = arith.constant 0 : i32
      %dma_wait3A_148 = tpu.memref_slice %arg2[%select_n3A, %dma_wait3A_146, %dma_wait3A_147] : memref<8x65536x16xf32, #tpu.memory_space<hbm>> -> memref<1x65536x16xf32, #tpu.memory_space<hbm>>
      %dma_wait3A_149 = tpu.memref_squeeze %dma_wait3A_148 : memref<1x65536x16xf32, #tpu.memory_space<hbm>> -> memref<65536x16xf32, #tpu.memory_space<hbm>>
      %dma_wait3A_150 = arith.constant 0 : i32
      %dma_wait3A_151 = arith.constant 0 : i32
      %dma_wait3A_152 = tpu.memref_slice %dma_wait3A_149[%dma_wait3A_150, %dma_wait3A_151] : memref<65536x16xf32, #tpu.memory_space<hbm>> -> memref<65536x16xf32, #tpu.memory_space<hbm>>
      tpu.wait_indirect_dma semaphore(%arg12 : memref<!tpu.dma_semaphore, #tpu.memory_space<semaphore_mem>>) src(%dma_wait3A_152 : memref<65536x16xf32, #tpu.memory_space<hbm>>) dst(%dma_wait3A_144 : memref<128x16xf32, #tpu.memory_space<vmem>>)
    }
    %scan3A_76 = arith.constant 32 : i32
    %scan3A_77 = arith.constant 0 : i32
    %scan3A_78 = arith.constant 4 : i32
    %scan3A_79 = arith.addi %scan3A_77, %scan3A_78 : i32
    %scan3A_80 = arith.constant 1 : i32
    scf.for %scan3A_126 = %scan3A_77 to %scan3A_79 step %scan3A_80  : i32 {
      %mul3A_127 = arith.constant 1 : i32
      %mul3A_128 = arith.muli %scan3A_126, %mul3A_127 : i32
      %add3A_129 = arith.constant 0 : i32
      %add3A_130 = arith.addi %add3A_129, %mul3A_128 : i32
      %mul3A_131 = arith.constant 128 : i32
      %mul3A_132 = arith.muli %add3A_130, %mul3A_131 : i32
      %mul3A_133 = arith.constant 128 : i32
      %mul3A_134 = arith.muli %add3A_130, %mul3A_133 : i32
      %dma_start3A = arith.constant 0 : i32
      %dma_start3A_135 = tpu.memref_slice %arg11[%mul3A_134, %dma_start3A] : memref<512x16xf32, #tpu.memory_space<vmem>> -> memref<128x16xf32, #tpu.memory_space<vmem>>
      %dma_start3A_136 = tpu.memref_slice %arg10[%mul3A_132] : memref<512xi32, #tpu.memory_space<vmem>> -> memref<128xi32, #tpu.memory_space<vmem>>
      %dma_start3A_137 = arith.constant 0 : i32
      %dma_start3A_138 = arith.constant 0 : i32
      %dma_start3A_139 = tpu.memref_slice %arg3[%dma_start3A_137, %dma_start3A_138] : memref<65536x16xf32, #tpu.memory_space<hbm>> -> memref<65536x16xf32, #tpu.memory_space<hbm>>
      tpu.enqueue_indirect_dma source(%dma_start3A_139 : memref<65536x16xf32, #tpu.memory_space<hbm>>) target(%dma_start3A_135 : memref<128x16xf32, #tpu.memory_space<vmem>>) offsets(%dma_start3A_136 : memref<128xi32, #tpu.memory_space<vmem>>) semaphore(%arg12 : memref<!tpu.dma_semaphore, #tpu.memory_space<semaphore_mem>>)
      %dma_wait3A = arith.constant 0 : i32
      %dma_wait3A_140 = tpu.memref_slice %arg11[%mul3A_134, %dma_wait3A] : memref<512x16xf32, #tpu.memory_space<vmem>> -> memref<128x16xf32, #tpu.memory_space<vmem>>
      %dma_wait3A_141 = tpu.memref_slice %arg10[%mul3A_132] : memref<512xi32, #tpu.memory_space<vmem>> -> memref<128xi32, #tpu.memory_space<vmem>>
      %dma_wait3A_142 = arith.constant 0 : i32
      %dma_wait3A_143 = arith.constant 0 : i32
      %dma_wait3A_144 = tpu.memref_slice %arg3[%dma_wait3A_142, %dma_wait3A_143] : memref<65536x16xf32, #tpu.memory_space<hbm>> -> memref<65536x16xf32, #tpu.memory_space<hbm>>
      tpu.wait_indirect_dma semaphore(%arg12 : memref<!tpu.dma_semaphore, #tpu.memory_space<semaphore_mem>>) src(%dma_wait3A_144 : memref<65536x16xf32, #tpu.memory_space<hbm>>) dst(%dma_wait3A_140 : memref<128x16xf32, #tpu.memory_space<vmem>>)
    }
    %scan3A_81 = arith.constant 4 : i32
    %mul3A_82 = arith.constant 16 : i32
    %mul3A_83 = arith.muli %select_n3A, %mul3A_82 : i32
    "tpu.region"() ({
      %run_scoped3A = tpu.sem_alloc : memref<!tpu.dma_semaphore, #tpu.memory_space<semaphore_mem>>
      %dma_start3A = arith.constant 0 : i32
      %dma_start3A_126 = tpu.memref_slice %arg6[%select_n3A_30, %dma_start3A, %mul3A_83] : memref<4x4096x128xf32, #tpu.memory_space<hbm>> -> memref<1x4096x16xf32, #tpu.memory_space<hbm>>
      %dma_start3A_127 = tpu.memref_squeeze %dma_start3A_126 : memref<1x4096x16xf32, #tpu.memory_space<hbm>> -> memref<4096x16xf32, #tpu.memory_space<hbm>>
      %dma_start3A_128 = arith.constant 0 : i32
      %dma_start3A_129 = tpu.memref_slice %arg6[%select_n3A_30, %dma_start3A_128, %mul3A_83] : memref<4x4096x128xf32, #tpu.memory_space<hbm>> -> memref<1x4096x16xf32, #tpu.memory_space<hbm>>
      %dma_start3A_130 = tpu.memref_squeeze %dma_start3A_129 : memref<1x4096x16xf32, #tpu.memory_space<hbm>> -> memref<4096x16xf32, #tpu.memory_space<hbm>>
      tpu.enqueue_dma source(%arg9 : memref<4096x16xf32, #tpu.memory_space<vmem>>) target(%dma_start3A_130 : memref<4096x16xf32, #tpu.memory_space<hbm>>) target_semaphore(%run_scoped3A : memref<!tpu.dma_semaphore, #tpu.memory_space<semaphore_mem>>)
      %dma_wait3A = arith.constant 0 : i32
      %dma_wait3A_131 = tpu.memref_slice %arg6[%select_n3A_30, %dma_wait3A, %mul3A_83] : memref<4x4096x128xf32, #tpu.memory_space<hbm>> -> memref<1x4096x16xf32, #tpu.memory_space<hbm>>
      %dma_wait3A_132 = tpu.memref_squeeze %dma_wait3A_131 : memref<1x4096x16xf32, #tpu.memory_space<hbm>> -> memref<4096x16xf32, #tpu.memory_space<hbm>>
      %dma_wait3A_133 = arith.constant 0 : i32
      %dma_wait3A_134 = tpu.memref_slice %arg6[%select_n3A_30, %dma_wait3A_133, %mul3A_83] : memref<4x4096x128xf32, #tpu.memory_space<hbm>> -> memref<1x4096x16xf32, #tpu.memory_space<hbm>>
      %dma_wait3A_135 = tpu.memref_squeeze %dma_wait3A_134 : memref<1x4096x16xf32, #tpu.memory_space<hbm>> -> memref<4096x16xf32, #tpu.memory_space<hbm>>
      tpu.wait_dma2 semaphore(%run_scoped3A : memref<!tpu.dma_semaphore, #tpu.memory_space<semaphore_mem>>) src(%arg9 : memref<4096x16xf32, #tpu.memory_space<vmem>>) dst(%dma_wait3A_135 : memref<4096x16xf32, #tpu.memory_space<hbm>>)
      tpu.yield
    }) : () -> ()
    %jit3A_84 = arith.constant 8 : i32
    %div3A_85 = arith.divsi %add3A, %jit3A_84 : i32
    %sign3A_86 = arith.constant 0 : i32
    %sign3A_87 = arith.cmpi sgt, %add3A, %sign3A_86 : i32
    %sign3A_88 = arith.extui %sign3A_87 : i1 to i32
    %sign3A_89 = arith.constant 0 : i32
    %sign3A_90 = arith.cmpi slt, %add3A, %sign3A_89 : i32
    %sign3A_91 = arith.extui %sign3A_90 : i1 to i32
    %sign3A_92 = arith.subi %sign3A_88, %sign3A_91 : i32
    %sign3A_93 = arith.constant 0 : i32
    %sign3A_94 = arith.cmpi sgt, %jit3A_84, %sign3A_93 : i32
    %sign3A_95 = arith.extui %sign3A_94 : i1 to i32
    %sign3A_96 = arith.constant 0 : i32
    %sign3A_97 = arith.cmpi slt, %jit3A_84, %sign3A_96 : i32
    %sign3A_98 = arith.extui %sign3A_97 : i1 to i32
    %sign3A_99 = arith.subi %sign3A_95, %sign3A_98 : i32
    %ne3A_100 = arith.cmpi ne, %sign3A_92, %sign3A_99 : i32
    %rem3A_101 = arith.remsi %add3A, %jit3A_84 : i32
    %ne3A_102 = arith.constant 0 : i32
    %ne3A_103 = arith.cmpi ne, %rem3A_101, %ne3A_102 : i32
    %and3A_104 = arith.andi %ne3A_100, %ne3A_103 : i1
    %sub3A_105 = arith.constant 1 : i32
    %sub3A_106 = arith.subi %div3A_85, %sub3A_105 : i32
    %select_n3A_107 = arith.select %and3A_104, %sub3A_106, %div3A_85 : i32
    %jit3A_108 = arith.constant 8 : i32
    %eq3A_109 = arith.constant 0 : i32
    %eq3A_110 = arith.cmpi eq, %jit3A_108, %eq3A_109 : i32
    %jit3A_111 = arith.constant 1 : i32
    %select_n3A_112 = arith.select %eq3A_110, %jit3A_111, %jit3A_108 : i32
    %rem3A_113 = arith.remsi %add3A, %select_n3A_112 : i32
    %ne3A_114 = arith.constant 0 : i32
    %ne3A_115 = arith.cmpi ne, %rem3A_113, %ne3A_114 : i32
    %lt3A_116 = arith.constant 0 : i32
    %lt3A_117 = arith.cmpi slt, %rem3A_113, %lt3A_116 : i32
    %lt3A_118 = arith.constant 0 : i32
    %lt3A_119 = arith.cmpi slt, %select_n3A_112, %lt3A_118 : i32
    %ne3A_120 = arith.xori %lt3A_117, %lt3A_119 : i1
    %and3A_121 = arith.andi %ne3A_120, %ne3A_115 : i1
    %add3A_122 = arith.addi %rem3A_113, %select_n3A_112 : i32
    %select_n3A_123 = arith.select %and3A_121, %add3A_122, %rem3A_113 : i32
    %mul3A_124 = arith.constant 512 : i32
    %mul3A_125 = arith.muli %select_n3A_123, %mul3A_124 : i32
    "tpu.region"() ({
      %run_scoped3A = tpu.sem_alloc : memref<!tpu.dma_semaphore, #tpu.memory_space<semaphore_mem>>
      %dma_start3A = arith.constant 0 : i32
      %dma_start3A_126 = arith.constant 0 : i32
      %dma_start3A_127 = tpu.memref_slice %arg7[%select_n3A_107, %dma_start3A, %dma_start3A_126] : memref<4x4096x16xf32, #tpu.memory_space<hbm>> -> memref<1x4096x16xf32, #tpu.memory_space<hbm>>
      %dma_start3A_128 = tpu.memref_squeeze %dma_start3A_127 : memref<1x4096x16xf32, #tpu.memory_space<hbm>> -> memref<4096x16xf32, #tpu.memory_space<hbm>>
      %dma_start3A_129 = arith.constant 0 : i32
      %dma_start3A_130 = tpu.memref_slice %dma_start3A_128[%mul3A_125, %dma_start3A_129] : memref<4096x16xf32, #tpu.memory_space<hbm>> -> memref<512x16xf32, #tpu.memory_space<hbm>>
      %dma_start3A_131 = arith.constant 0 : i32
      %dma_start3A_132 = arith.constant 0 : i32
      %dma_start3A_133 = tpu.memref_slice %arg7[%select_n3A_107, %dma_start3A_131, %dma_start3A_132] : memref<4x4096x16xf32, #tpu.memory_space<hbm>> -> memref<1x4096x16xf32, #tpu.memory_space<hbm>>
      %dma_start3A_134 = tpu.memref_squeeze %dma_start3A_133 : memref<1x4096x16xf32, #tpu.memory_space<hbm>> -> memref<4096x16xf32, #tpu.memory_space<hbm>>
      %dma_start3A_135 = arith.constant 0 : i32
      %dma_start3A_136 = tpu.memref_slice %dma_start3A_134[%mul3A_125, %dma_start3A_135] : memref<4096x16xf32, #tpu.memory_space<hbm>> -> memref<512x16xf32, #tpu.memory_space<hbm>>
      tpu.enqueue_dma source(%arg11 : memref<512x16xf32, #tpu.memory_space<vmem>>) target(%dma_start3A_136 : memref<512x16xf32, #tpu.memory_space<hbm>>) target_semaphore(%run_scoped3A : memref<!tpu.dma_semaphore, #tpu.memory_space<semaphore_mem>>)
      %dma_wait3A = arith.constant 0 : i32
      %dma_wait3A_137 = arith.constant 0 : i32
      %dma_wait3A_138 = tpu.memref_slice %arg7[%select_n3A_107, %dma_wait3A, %dma_wait3A_137] : memref<4x4096x16xf32, #tpu.memory_space<hbm>> -> memref<1x4096x16xf32, #tpu.memory_space<hbm>>
      %dma_wait3A_139 = tpu.memref_squeeze %dma_wait3A_138 : memref<1x4096x16xf32, #tpu.memory_space<hbm>> -> memref<4096x16xf32, #tpu.memory_space<hbm>>
      %dma_wait3A_140 = arith.constant 0 : i32
      %dma_wait3A_141 = tpu.memref_slice %dma_wait3A_139[%mul3A_125, %dma_wait3A_140] : memref<4096x16xf32, #tpu.memory_space<hbm>> -> memref<512x16xf32, #tpu.memory_space<hbm>>
      %dma_wait3A_142 = arith.constant 0 : i32
      %dma_wait3A_143 = arith.constant 0 : i32
      %dma_wait3A_144 = tpu.memref_slice %arg7[%select_n3A_107, %dma_wait3A_142, %dma_wait3A_143] : memref<4x4096x16xf32, #tpu.memory_space<hbm>> -> memref<1x4096x16xf32, #tpu.memory_space<hbm>>
      %dma_wait3A_145 = tpu.memref_squeeze %dma_wait3A_144 : memref<1x4096x16xf32, #tpu.memory_space<hbm>> -> memref<4096x16xf32, #tpu.memory_space<hbm>>
      %dma_wait3A_146 = arith.constant 0 : i32
      %dma_wait3A_147 = tpu.memref_slice %dma_wait3A_145[%mul3A_125, %dma_wait3A_146] : memref<4096x16xf32, #tpu.memory_space<hbm>> -> memref<512x16xf32, #tpu.memory_space<hbm>>
      tpu.wait_dma2 semaphore(%run_scoped3A : memref<!tpu.dma_semaphore, #tpu.memory_space<semaphore_mem>>) src(%arg11 : memref<512x16xf32, #tpu.memory_space<vmem>>) dst(%dma_wait3A_147 : memref<512x16xf32, #tpu.memory_space<hbm>>)
      tpu.yield
    }) : () -> ()
    return
  }
}

module attributes {stable_mosaic.version = 14 : i64} {
  func.func @_idx_body(%arg0: memref<4x4096xi32, #tpu.memory_space<vmem>>, %arg1: memref<32x4096xi32, #tpu.memory_space<vmem>>, %arg2: memref<4x4096xi32, #tpu.memory_space<vmem>>) attributes {dimension_semantics = [], scalar_prefetch = 0 : i64, scratch_operands = 0 : i64, tpu.core_type = #tpu.core_type<tc>} {
    %get3A = arith.constant 0 : index
    %get3A_0 = arith.constant 0 : index
    %get3A_1 = vector.load %arg0[%get3A, %get3A_0] : memref<4x4096xi32, #tpu.memory_space<vmem>>, vector<4x4096xi32>
    %and3A = arith.constant 65535 : i32
    %and3A_2 = vector.broadcast %and3A : i32 to vector<4x4096xi32>
    %and3A_3 = arith.andi %get3A_1, %and3A_2 : vector<4x4096xi32>
    %swap3A = arith.constant 0 : index
    %swap3A_4 = arith.constant 0 : index
    %swap3A_5 = vector.load %arg1[%swap3A, %swap3A_4] : memref<32x4096xi32, #tpu.memory_space<vmem>>, vector<4x4096xi32>
    tpu.vector_store %arg1[%swap3A, %swap3A_4], %and3A_3 {strides = array<i32>} : memref<32x4096xi32, #tpu.memory_space<vmem>>, vector<4x4096xi32>,
    %broadcast_in_dim3A = arith.constant 0 : i32
    %broadcast_in_dim3A_6 = vector.broadcast %broadcast_in_dim3A : i32 to vector<4x1xi32>
    %slice3A = vector.extract_strided_slice %get3A_1 {offsets = [0, 0], sizes = [4, 4095], strides = [1, 1]} : vector<4x4096xi32> to vector<4x4095xi32>
    %concatenate3A = tpu.concatenate %broadcast_in_dim3A_6, %slice3A in 1 : vector<4x1xi32>, vector<4x4095xi32> -> vector<4x4096xi32>
    %mul3A = arith.constant 1000003 : i32
    %mul3A_7 = vector.broadcast %mul3A : i32 to vector<4x4096xi32>
    %mul3A_8 = arith.muli %mul3A_7, %concatenate3A : vector<4x4096xi32>
    %add3A = arith.addi %get3A_1, %mul3A_8 : vector<4x4096xi32>
    %xor3A = arith.xori %get3A_1, %add3A : vector<4x4096xi32>
    %and3A_9 = arith.constant 65535 : i32
    %and3A_10 = vector.broadcast %and3A_9 : i32 to vector<4x4096xi32>
    %and3A_11 = arith.andi %add3A, %and3A_10 : vector<4x4096xi32>
    %swap3A_12 = arith.constant 4 : index
    %swap3A_13 = arith.constant 0 : index
    %swap3A_14 = vector.load %arg1[%swap3A_12, %swap3A_13] : memref<32x4096xi32, #tpu.memory_space<vmem>>, vector<4x4096xi32>
    tpu.vector_store %arg1[%swap3A_12, %swap3A_13], %and3A_11 {strides = array<i32>} : memref<32x4096xi32, #tpu.memory_space<vmem>>, vector<4x4096xi32>,
    %broadcast_in_dim3A_15 = arith.constant 0 : i32
    %broadcast_in_dim3A_16 = vector.broadcast %broadcast_in_dim3A_15 : i32 to vector<4x2xi32>
    %slice3A_17 = vector.extract_strided_slice %add3A {offsets = [0, 0], sizes = [4, 4094], strides = [1, 1]} : vector<4x4096xi32> to vector<4x4094xi32>
    %concatenate3A_18 = tpu.concatenate %broadcast_in_dim3A_16, %slice3A_17 in 1 : vector<4x2xi32>, vector<4x4094xi32> -> vector<4x4096xi32>
    %mul3A_19 = arith.constant -721379959 : i32
    %mul3A_20 = vector.broadcast %mul3A_19 : i32 to vector<4x4096xi32>
    %mul3A_21 = arith.muli %mul3A_20, %concatenate3A_18 : vector<4x4096xi32>
    %add3A_22 = arith.addi %add3A, %mul3A_21 : vector<4x4096xi32>
    %xor3A_23 = arith.xori %xor3A, %add3A_22 : vector<4x4096xi32>
    %and3A_24 = arith.constant 65535 : i32
    %and3A_25 = vector.broadcast %and3A_24 : i32 to vector<4x4096xi32>
    %and3A_26 = arith.andi %add3A_22, %and3A_25 : vector<4x4096xi32>
    %swap3A_27 = arith.constant 8 : index
    %swap3A_28 = arith.constant 0 : index
    %swap3A_29 = vector.load %arg1[%swap3A_27, %swap3A_28] : memref<32x4096xi32, #tpu.memory_space<vmem>>, vector<4x4096xi32>
    tpu.vector_store %arg1[%swap3A_27, %swap3A_28], %and3A_26 {strides = array<i32>} : memref<32x4096xi32, #tpu.memory_space<vmem>>, vector<4x4096xi32>,
    %broadcast_in_dim3A_30 = arith.constant 0 : i32
    %broadcast_in_dim3A_31 = vector.broadcast %broadcast_in_dim3A_30 : i32 to vector<4x4xi32>
    %slice3A_32 = vector.extract_strided_slice %add3A_22 {offsets = [0, 0], sizes = [4, 4092], strides = [1, 1]} : vector<4x4096xi32> to vector<4x4092xi32>
    %concatenate3A_33 = tpu.concatenate %broadcast_in_dim3A_31, %slice3A_32 in 1 : vector<4x4xi32>, vector<4x4092xi32> -> vector<4x4096xi32>
    %mul3A_34 = arith.constant 1525764945 : i32
    %mul3A_35 = vector.broadcast %mul3A_34 : i32 to vector<4x4096xi32>
    %mul3A_36 = arith.muli %mul3A_35, %concatenate3A_33 : vector<4x4096xi32>
    %add3A_37 = arith.addi %add3A_22, %mul3A_36 : vector<4x4096xi32>
    %xor3A_38 = arith.xori %xor3A_23, %add3A_37 : vector<4x4096xi32>
    %and3A_39 = arith.constant 65535 : i32
    %and3A_40 = vector.broadcast %and3A_39 : i32 to vector<4x4096xi32>
    %and3A_41 = arith.andi %add3A_37, %and3A_40 : vector<4x4096xi32>
    %swap3A_42 = arith.constant 12 : index
    %swap3A_43 = arith.constant 0 : index
    %swap3A_44 = vector.load %arg1[%swap3A_42, %swap3A_43] : memref<32x4096xi32, #tpu.memory_space<vmem>>, vector<4x4096xi32>
    tpu.vector_store %arg1[%swap3A_42, %swap3A_43], %and3A_41 {strides = array<i32>} : memref<32x4096xi32, #tpu.memory_space<vmem>>, vector<4x4096xi32>,
    %broadcast_in_dim3A_45 = arith.constant 0 : i32
    %broadcast_in_dim3A_46 = vector.broadcast %broadcast_in_dim3A_45 : i32 to vector<4x8xi32>
    %slice3A_47 = vector.extract_strided_slice %add3A_37 {offsets = [0, 0], sizes = [4, 4088], strides = [1, 1]} : vector<4x4096xi32> to vector<4x4088xi32>
    %concatenate3A_48 = tpu.concatenate %broadcast_in_dim3A_46, %slice3A_47 in 1 : vector<4x8xi32>, vector<4x4088xi32> -> vector<4x4096xi32>
    %mul3A_49 = arith.constant -308306015 : i32
    %mul3A_50 = vector.broadcast %mul3A_49 : i32 to vector<4x4096xi32>
    %mul3A_51 = arith.muli %mul3A_50, %concatenate3A_48 : vector<4x4096xi32>
    %add3A_52 = arith.addi %add3A_37, %mul3A_51 : vector<4x4096xi32>
    %xor3A_53 = arith.xori %xor3A_38, %add3A_52 : vector<4x4096xi32>
    %and3A_54 = arith.constant 65535 : i32
    %and3A_55 = vector.broadcast %and3A_54 : i32 to vector<4x4096xi32>
    %and3A_56 = arith.andi %add3A_52, %and3A_55 : vector<4x4096xi32>
    %swap3A_57 = arith.constant 16 : index
    %swap3A_58 = arith.constant 0 : index
    %swap3A_59 = vector.load %arg1[%swap3A_57, %swap3A_58] : memref<32x4096xi32, #tpu.memory_space<vmem>>, vector<4x4096xi32>
    tpu.vector_store %arg1[%swap3A_57, %swap3A_58], %and3A_56 {strides = array<i32>} : memref<32x4096xi32, #tpu.memory_space<vmem>>, vector<4x4096xi32>,
    %broadcast_in_dim3A_60 = arith.constant 0 : i32
    %broadcast_in_dim3A_61 = vector.broadcast %broadcast_in_dim3A_60 : i32 to vector<4x16xi32>
    %slice3A_62 = vector.extract_strided_slice %add3A_52 {offsets = [0, 0], sizes = [4, 4080], strides = [1, 1]} : vector<4x4096xi32> to vector<4x4080xi32>
    %concatenate3A_63 = tpu.concatenate %broadcast_in_dim3A_61, %slice3A_62 in 1 : vector<4x16xi32>, vector<4x4080xi32> -> vector<4x4096xi32>
    %mul3A_64 = arith.constant -947428543 : i32
    %mul3A_65 = vector.broadcast %mul3A_64 : i32 to vector<4x4096xi32>
    %mul3A_66 = arith.muli %mul3A_65, %concatenate3A_63 : vector<4x4096xi32>
    %add3A_67 = arith.addi %add3A_52, %mul3A_66 : vector<4x4096xi32>
    %xor3A_68 = arith.xori %xor3A_53, %add3A_67 : vector<4x4096xi32>
    %and3A_69 = arith.constant 65535 : i32
    %and3A_70 = vector.broadcast %and3A_69 : i32 to vector<4x4096xi32>
    %and3A_71 = arith.andi %add3A_67, %and3A_70 : vector<4x4096xi32>
    %swap3A_72 = arith.constant 20 : index
    %swap3A_73 = arith.constant 0 : index
    %swap3A_74 = vector.load %arg1[%swap3A_72, %swap3A_73] : memref<32x4096xi32, #tpu.memory_space<vmem>>, vector<4x4096xi32>
    tpu.vector_store %arg1[%swap3A_72, %swap3A_73], %and3A_71 {strides = array<i32>} : memref<32x4096xi32, #tpu.memory_space<vmem>>, vector<4x4096xi32>,
    %broadcast_in_dim3A_75 = arith.constant 0 : i32
    %broadcast_in_dim3A_76 = vector.broadcast %broadcast_in_dim3A_75 : i32 to vector<4x32xi32>
    %slice3A_77 = vector.extract_strided_slice %add3A_67 {offsets = [0, 0], sizes = [4, 4064], strides = [1, 1]} : vector<4x4096xi32> to vector<4x4064xi32>
    %concatenate3A_78 = tpu.concatenate %broadcast_in_dim3A_76, %slice3A_77 in 1 : vector<4x32xi32>, vector<4x4064xi32> -> vector<4x4096xi32>
    %mul3A_79 = arith.constant -485927295 : i32
    %mul3A_80 = vector.broadcast %mul3A_79 : i32 to vector<4x4096xi32>
    %mul3A_81 = arith.muli %mul3A_80, %concatenate3A_78 : vector<4x4096xi32>
    %add3A_82 = arith.addi %add3A_67, %mul3A_81 : vector<4x4096xi32>
    %xor3A_83 = arith.xori %xor3A_68, %add3A_82 : vector<4x4096xi32>
    %and3A_84 = arith.constant 65535 : i32
    %and3A_85 = vector.broadcast %and3A_84 : i32 to vector<4x4096xi32>
    %and3A_86 = arith.andi %add3A_82, %and3A_85 : vector<4x4096xi32>
    %swap3A_87 = arith.constant 24 : index
    %swap3A_88 = arith.constant 0 : index
    %swap3A_89 = vector.load %arg1[%swap3A_87, %swap3A_88] : memref<32x4096xi32, #tpu.memory_space<vmem>>, vector<4x4096xi32>
    tpu.vector_store %arg1[%swap3A_87, %swap3A_88], %and3A_86 {strides = array<i32>} : memref<32x4096xi32, #tpu.memory_space<vmem>>, vector<4x4096xi32>,
    %broadcast_in_dim3A_90 = arith.constant 0 : i32
    %broadcast_in_dim3A_91 = vector.broadcast %broadcast_in_dim3A_90 : i32 to vector<4x64xi32>
    %slice3A_92 = vector.extract_strided_slice %add3A_82 {offsets = [0, 0], sizes = [4, 4032], strides = [1, 1]} : vector<4x4096xi32> to vector<4x4032xi32>
    %concatenate3A_93 = tpu.concatenate %broadcast_in_dim3A_91, %slice3A_92 in 1 : vector<4x64xi32>, vector<4x4032xi32> -> vector<4x4096xi32>
    %mul3A_94 = arith.constant -129176319 : i32
    %mul3A_95 = vector.broadcast %mul3A_94 : i32 to vector<4x4096xi32>
    %mul3A_96 = arith.muli %mul3A_95, %concatenate3A_93 : vector<4x4096xi32>
    %add3A_97 = arith.addi %add3A_82, %mul3A_96 : vector<4x4096xi32>
    %xor3A_98 = arith.xori %xor3A_83, %add3A_97 : vector<4x4096xi32>
    %and3A_99 = arith.constant 65535 : i32
    %and3A_100 = vector.broadcast %and3A_99 : i32 to vector<4x4096xi32>
    %and3A_101 = arith.andi %add3A_97, %and3A_100 : vector<4x4096xi32>
    %swap3A_102 = arith.constant 28 : index
    %swap3A_103 = arith.constant 0 : index
    %swap3A_104 = vector.load %arg1[%swap3A_102, %swap3A_103] : memref<32x4096xi32, #tpu.memory_space<vmem>>, vector<4x4096xi32>
    tpu.vector_store %arg1[%swap3A_102, %swap3A_103], %and3A_101 {strides = array<i32>} : memref<32x4096xi32, #tpu.memory_space<vmem>>, vector<4x4096xi32>,
    %and3A_105 = arith.constant 65535 : i32
    %and3A_106 = vector.broadcast %and3A_105 : i32 to vector<4x4096xi32>
    %and3A_107 = arith.andi %xor3A_98, %and3A_106 : vector<4x4096xi32>
    %swap3A_108 = arith.constant 0 : index
    %swap3A_109 = arith.constant 0 : index
    %swap3A_110 = vector.load %arg2[%swap3A_108, %swap3A_109] : memref<4x4096xi32, #tpu.memory_space<vmem>>, vector<4x4096xi32>
    tpu.vector_store %arg2[%swap3A_108, %swap3A_109], %and3A_107 {strides = array<i32>} : memref<4x4096xi32, #tpu.memory_space<vmem>>, vector<4x4096xi32>,
    return
  }
}

module attributes {stable_mosaic.version = 14 : i64} {
  func.func @_dense_body(%arg0: i32, %arg1: memref<4x4096xi32, #tpu.memory_space<vmem>>, %arg2: memref<1x4096x128xf32, #tpu.memory_space<vmem>>, %arg3: memref<1x4096x16xf32, #tpu.memory_space<vmem>>, %arg4: memref<32x256xf32, #tpu.memory_space<vmem>>, %arg5: memref<4x16xf32, #tpu.memory_space<vmem>>, %arg6: memref<4x80xf32, #tpu.memory_space<vmem>>, %arg7: memref<1x80xf32, #tpu.memory_space<vmem>>, %arg8: memref<116x32xf32, #tpu.memory_space<vmem>>, %arg9: memref<1x32xf32, #tpu.memory_space<vmem>>, %arg10: memref<32x116xf32, #tpu.memory_space<vmem>>, %arg11: memref<116x256xf32, #tpu.memory_space<vmem>>, %arg12: memref<1x256xf32, #tpu.memory_space<vmem>>, %arg13: memref<1x4096x256xf32, #tpu.memory_space<vmem>>) attributes {dimension_semantics = [#tpu.dimension_semantics<parallel>], iteration_bounds = array<i64: 4>, scalar_prefetch = 0 : i64, scratch_operands = 0 : i64, tpu.core_type = #tpu.core_type<tc>, window_params = [{pipeline_mode = #tpu.pipeline_mode<synchronous>, transform_indices = @transform_0, window_bounds = array<i64: 4, 4096>}, {transform_indices = @transform_1, window_bounds = array<i64: 1, 4096, 128>}, {transform_indices = @transform_2, window_bounds = array<i64: 1, 4096, 16>}, {pipeline_mode = #tpu.pipeline_mode<synchronous>, transform_indices = @transform_3, window_bounds = array<i64: 32, 256>}, {pipeline_mode = #tpu.pipeline_mode<synchronous>, transform_indices = @transform_4, window_bounds = array<i64: 4, 16>}, {pipeline_mode = #tpu.pipeline_mode<synchronous>, transform_indices = @transform_5, window_bounds = array<i64: 4, 80>}, {pipeline_mode = #tpu.pipeline_mode<synchronous>, transform_indices = @transform_6, window_bounds = array<i64: 1, 80>}, {pipeline_mode = #tpu.pipeline_mode<synchronous>, transform_indices = @transform_7, window_bounds = array<i64: 116, 32>}, {pipeline_mode = #tpu.pipeline_mode<synchronous>, transform_indices = @transform_8, window_bounds = array<i64: 1, 32>}, {pipeline_mode = #tpu.pipeline_mode<synchronous>, transform_indices = @transform_9, window_bounds = array<i64: 32, 116>}, {pipeline_mode = #tpu.pipeline_mode<synchronous>, transform_indices = @transform_10, window_bounds = array<i64: 116, 256>}, {pipeline_mode = #tpu.pipeline_mode<synchronous>, transform_indices = @transform_11, window_bounds = array<i64: 1, 256>}, {transform_indices = @transform_12, window_bounds = array<i64: 1, 4096, 256>}]} {
    %get3A = arith.index_cast %arg0 : i32 to index
    %get3A_0 = arith.constant 0 : index
    %get3A_1 = vector.load %arg1[%get3A, %get3A_0] : memref<4x4096xi32, #tpu.memory_space<vmem>>, vector<1x4096xi32>
    %iota3A = tpu.iota {dimensions = array<i32: 0>} : vector<256x4096xi32>
    %eq3A = vector.broadcast %get3A_1 : vector<1x4096xi32> to vector<256x4096xi32>
    %eq3A_2 = arith.cmpi eq, %eq3A, %iota3A : vector<256x4096xi32>
    %convert_element_type3A = arith.extui %eq3A_2 : vector<256x4096xi1> to vector<256x4096xi32>
    %convert_element_type3A_3 = arith.sitofp %convert_element_type3A : vector<256x4096xi32> to vector<256x4096xf32>
    %get3A_4 = arith.constant 0 : index
    %get3A_5 = arith.constant 0 : index
    %get3A_6 = vector.load %arg4[%get3A_4, %get3A_5] : memref<32x256xf32, #tpu.memory_space<vmem>>, vector<32x256xf32>
    %dot_general3A = arith.constant dense<0.000000e+00> : vector<32x4096xf32>
    %dot_general3A_7 = tpu.matmul %get3A_6, %convert_element_type3A_3, %dot_general3A {dimension_numbers = #tpu.dot_dimension_numbers<[1], [0], [0], [1], [0, 0, 1, 1], [], []>, transpose_lhs_hint = false} : vector<32x256xf32>, vector<256x4096xf32>, vector<32x4096xf32> -> vector<32x4096xf32>
    %transpose3A = tpu.transpose %dot_general3A_7, [1, 0] : vector<32x4096xf32> -> vector<4096x32xf32>
    %get3A_8 = arith.constant 0 : index
    %get3A_9 = arith.constant 0 : index
    %get3A_10 = arith.constant 0 : index
    %get3A_11 = vector.load %arg2[%get3A_8, %get3A_9, %get3A_10] : memref<1x4096x128xf32, #tpu.memory_space<vmem>>, vector<1x4096x128xf32>
    %get3A_12 = vector.shape_cast %get3A_11 : vector<1x4096x128xf32> to vector<4096x128xf32>
    %get3A_13 = arith.constant 0 : index
    %get3A_14 = arith.constant 0 : index
    %get3A_15 = vector.load %arg5[%get3A_13, %get3A_14] : memref<4x16xf32, #tpu.memory_space<vmem>>, vector<4x16xf32>
    %slice3A = vector.extract_strided_slice %get3A_12 {offsets = [0, 0], sizes = [4096, 16], strides = [1, 1]} : vector<4096x128xf32> to vector<4096x16xf32>
    %slice3A_16 = vector.extract_strided_slice %get3A_12 {offsets = [0, 16], sizes = [4096, 16], strides = [1, 1]} : vector<4096x128xf32> to vector<4096x16xf32>
    %slice3A_17 = vector.extract_strided_slice %get3A_15 {offsets = [0, 0], sizes = [1, 16], strides = [1, 1]} : vector<4x16xf32> to vector<1x16xf32>
    %add3A = vector.broadcast %slice3A_17 : vector<1x16xf32> to vector<4096x16xf32>
    %add3A_18 = arith.addf %slice3A_16, %add3A : vector<4096x16xf32>
    %neg3A = arith.constant 0.000000e+00 : f32
    %neg3A_19 = vector.broadcast %neg3A : f32 to vector<4096x16xf32>
    %neg3A_20 = arith.subf %neg3A_19, %add3A_18 : vector<4096x16xf32>
    %exp3A = math.exp %neg3A_20 : vector<4096x16xf32>
    %add3A_21 = arith.constant 1.000000e+00 : f32
    %add3A_22 = vector.broadcast %add3A_21 : f32 to vector<4096x16xf32>
    %add3A_23 = arith.addf %add3A_22, %exp3A : vector<4096x16xf32>
    %div3A = arith.constant 1.000000e+00 : f32
    %div3A_24 = vector.broadcast %div3A : f32 to vector<4096x16xf32>
    %div3A_25 = arith.divf %div3A_24, %add3A_23 : vector<4096x16xf32>
    %mul3A = arith.mulf %slice3A, %div3A_25 : vector<4096x16xf32>
    %slice3A_26 = vector.extract_strided_slice %get3A_12 {offsets = [0, 32], sizes = [4096, 16], strides = [1, 1]} : vector<4096x128xf32> to vector<4096x16xf32>
    %slice3A_27 = vector.extract_strided_slice %get3A_12 {offsets = [0, 48], sizes = [4096, 16], strides = [1, 1]} : vector<4096x128xf32> to vector<4096x16xf32>
    %slice3A_28 = vector.extract_strided_slice %get3A_15 {offsets = [1, 0], sizes = [1, 16], strides = [1, 1]} : vector<4x16xf32> to vector<1x16xf32>
    %add3A_29 = vector.broadcast %slice3A_28 : vector<1x16xf32> to vector<4096x16xf32>
    %add3A_30 = arith.addf %slice3A_27, %add3A_29 : vector<4096x16xf32>
    %neg3A_31 = arith.constant 0.000000e+00 : f32
    %neg3A_32 = vector.broadcast %neg3A_31 : f32 to vector<4096x16xf32>
    %neg3A_33 = arith.subf %neg3A_32, %add3A_30 : vector<4096x16xf32>
    %exp3A_34 = math.exp %neg3A_33 : vector<4096x16xf32>
    %add3A_35 = arith.constant 1.000000e+00 : f32
    %add3A_36 = vector.broadcast %add3A_35 : f32 to vector<4096x16xf32>
    %add3A_37 = arith.addf %add3A_36, %exp3A_34 : vector<4096x16xf32>
    %div3A_38 = arith.constant 1.000000e+00 : f32
    %div3A_39 = vector.broadcast %div3A_38 : f32 to vector<4096x16xf32>
    %div3A_40 = arith.divf %div3A_39, %add3A_37 : vector<4096x16xf32>
    %mul3A_41 = arith.mulf %slice3A_26, %div3A_40 : vector<4096x16xf32>
    %slice3A_42 = vector.extract_strided_slice %get3A_12 {offsets = [0, 64], sizes = [4096, 16], strides = [1, 1]} : vector<4096x128xf32> to vector<4096x16xf32>
    %slice3A_43 = vector.extract_strided_slice %get3A_12 {offsets = [0, 80], sizes = [4096, 16], strides = [1, 1]} : vector<4096x128xf32> to vector<4096x16xf32>
    %slice3A_44 = vector.extract_strided_slice %get3A_15 {offsets = [2, 0], sizes = [1, 16], strides = [1, 1]} : vector<4x16xf32> to vector<1x16xf32>
    %add3A_45 = vector.broadcast %slice3A_44 : vector<1x16xf32> to vector<4096x16xf32>
    %add3A_46 = arith.addf %slice3A_43, %add3A_45 : vector<4096x16xf32>
    %neg3A_47 = arith.constant 0.000000e+00 : f32
    %neg3A_48 = vector.broadcast %neg3A_47 : f32 to vector<4096x16xf32>
    %neg3A_49 = arith.subf %neg3A_48, %add3A_46 : vector<4096x16xf32>
    %exp3A_50 = math.exp %neg3A_49 : vector<4096x16xf32>
    %add3A_51 = arith.constant 1.000000e+00 : f32
    %add3A_52 = vector.broadcast %add3A_51 : f32 to vector<4096x16xf32>
    %add3A_53 = arith.addf %add3A_52, %exp3A_50 : vector<4096x16xf32>
    %div3A_54 = arith.constant 1.000000e+00 : f32
    %div3A_55 = vector.broadcast %div3A_54 : f32 to vector<4096x16xf32>
    %div3A_56 = arith.divf %div3A_55, %add3A_53 : vector<4096x16xf32>
    %mul3A_57 = arith.mulf %slice3A_42, %div3A_56 : vector<4096x16xf32>
    %slice3A_58 = vector.extract_strided_slice %get3A_12 {offsets = [0, 96], sizes = [4096, 16], strides = [1, 1]} : vector<4096x128xf32> to vector<4096x16xf32>
    %slice3A_59 = vector.extract_strided_slice %get3A_12 {offsets = [0, 112], sizes = [4096, 16], strides = [1, 1]} : vector<4096x128xf32> to vector<4096x16xf32>
    %slice3A_60 = vector.extract_strided_slice %get3A_15 {offsets = [3, 0], sizes = [1, 16], strides = [1, 1]} : vector<4x16xf32> to vector<1x16xf32>
    %add3A_61 = vector.broadcast %slice3A_60 : vector<1x16xf32> to vector<4096x16xf32>
    %add3A_62 = arith.addf %slice3A_59, %add3A_61 : vector<4096x16xf32>
    %neg3A_63 = arith.constant 0.000000e+00 : f32
    %neg3A_64 = vector.broadcast %neg3A_63 : f32 to vector<4096x16xf32>
    %neg3A_65 = arith.subf %neg3A_64, %add3A_62 : vector<4096x16xf32>
    %exp3A_66 = math.exp %neg3A_65 : vector<4096x16xf32>
    %add3A_67 = arith.constant 1.000000e+00 : f32
    %add3A_68 = vector.broadcast %add3A_67 : f32 to vector<4096x16xf32>
    %add3A_69 = arith.addf %add3A_68, %exp3A_66 : vector<4096x16xf32>
    %div3A_70 = arith.constant 1.000000e+00 : f32
    %div3A_71 = vector.broadcast %div3A_70 : f32 to vector<4096x16xf32>
    %div3A_72 = arith.divf %div3A_71, %add3A_69 : vector<4096x16xf32>
    %mul3A_73 = arith.mulf %slice3A_58, %div3A_72 : vector<4096x16xf32>
    %get3A_74 = arith.constant 0 : index
    %get3A_75 = arith.constant 0 : index
    %get3A_76 = arith.constant 0 : index
    %get3A_77 = vector.load %arg3[%get3A_74, %get3A_75, %get3A_76] : memref<1x4096x16xf32, #tpu.memory_space<vmem>>, vector<1x4096x16xf32>
    %get3A_78 = vector.shape_cast %get3A_77 : vector<1x4096x16xf32> to vector<4096x16xf32>
    %concatenate3A = tpu.concatenate %mul3A, %mul3A_41, %mul3A_57, %mul3A_73, %get3A_78 in 1 : vector<4096x16xf32>, vector<4096x16xf32>, vector<4096x16xf32>, vector<4096x16xf32>, vector<4096x16xf32> -> vector<4096x80xf32>
    %get3A_79 = arith.constant 0 : index
    %get3A_80 = arith.constant 0 : index
    %get3A_81 = vector.load %arg6[%get3A_79, %get3A_80] : memref<4x80xf32, #tpu.memory_space<vmem>>, vector<4x80xf32>
    %slice3A_82 = vector.extract_strided_slice %get3A_81 {offsets = [3, 0], sizes = [1, 80], strides = [1, 1]} : vector<4x80xf32> to vector<1x80xf32>
    %mul3A_83 = vector.broadcast %slice3A_82 : vector<1x80xf32> to vector<4096x80xf32>
    %mul3A_84 = arith.mulf %concatenate3A, %mul3A_83 : vector<4096x80xf32>
    %broadcast_in_dim3A = arith.constant 0.000000e+00 : f32
    %broadcast_in_dim3A_85 = vector.broadcast %broadcast_in_dim3A : f32 to vector<3x80xf32>
    %slice3A_86 = vector.extract_strided_slice %concatenate3A {offsets = [0, 0], sizes = [4093, 80], strides = [1, 1]} : vector<4096x80xf32> to vector<4093x80xf32>
    %concatenate3A_87 = tpu.concatenate %broadcast_in_dim3A_85, %slice3A_86 in 0 : vector<3x80xf32>, vector<4093x80xf32> -> vector<4096x80xf32>
    %slice3A_88 = vector.extract_strided_slice %get3A_81 {offsets = [0, 0], sizes = [1, 80], strides = [1, 1]} : vector<4x80xf32> to vector<1x80xf32>
    %mul3A_89 = vector.broadcast %slice3A_88 : vector<1x80xf32> to vector<4096x80xf32>
    %mul3A_90 = arith.mulf %concatenate3A_87, %mul3A_89 : vector<4096x80xf32>
    %add3A_91 = arith.addf %mul3A_84, %mul3A_90 : vector<4096x80xf32>
    %broadcast_in_dim3A_92 = arith.constant 0.000000e+00 : f32
    %broadcast_in_dim3A_93 = vector.broadcast %broadcast_in_dim3A_92 : f32 to vector<2x80xf32>
    %slice3A_94 = vector.extract_strided_slice %concatenate3A {offsets = [0, 0], sizes = [4094, 80], strides = [1, 1]} : vector<4096x80xf32> to vector<4094x80xf32>
    %concatenate3A_95 = tpu.concatenate %broadcast_in_dim3A_93, %slice3A_94 in 0 : vector<2x80xf32>, vector<4094x80xf32> -> vector<4096x80xf32>
    %slice3A_96 = vector.extract_strided_slice %get3A_81 {offsets = [1, 0], sizes = [1, 80], strides = [1, 1]} : vector<4x80xf32> to vector<1x80xf32>
    %mul3A_97 = vector.broadcast %slice3A_96 : vector<1x80xf32> to vector<4096x80xf32>
    %mul3A_98 = arith.mulf %concatenate3A_95, %mul3A_97 : vector<4096x80xf32>
    %add3A_99 = arith.addf %add3A_91, %mul3A_98 : vector<4096x80xf32>
    %broadcast_in_dim3A_100 = arith.constant 0.000000e+00 : f32
    %broadcast_in_dim3A_101 = vector.broadcast %broadcast_in_dim3A_100 : f32 to vector<1x80xf32>
    %slice3A_102 = vector.extract_strided_slice %concatenate3A {offsets = [0, 0], sizes = [4095, 80], strides = [1, 1]} : vector<4096x80xf32> to vector<4095x80xf32>
    %concatenate3A_103 = tpu.concatenate %broadcast_in_dim3A_101, %slice3A_102 in 0 : vector<1x80xf32>, vector<4095x80xf32> -> vector<4096x80xf32>
    %slice3A_104 = vector.extract_strided_slice %get3A_81 {offsets = [2, 0], sizes = [1, 80], strides = [1, 1]} : vector<4x80xf32> to vector<1x80xf32>
    %mul3A_105 = vector.broadcast %slice3A_104 : vector<1x80xf32> to vector<4096x80xf32>
    %mul3A_106 = arith.mulf %concatenate3A_103, %mul3A_105 : vector<4096x80xf32>
    %add3A_107 = arith.addf %add3A_99, %mul3A_106 : vector<4096x80xf32>
    %get3A_108 = arith.constant 0 : index
    %get3A_109 = arith.constant 0 : index
    %get3A_110 = vector.load %arg7[%get3A_108, %get3A_109] : memref<1x80xf32, #tpu.memory_space<vmem>>, vector<1x80xf32>
    %add3A_111 = vector.broadcast %get3A_110 : vector<1x80xf32> to vector<4096x80xf32>
    %add3A_112 = arith.addf %add3A_107, %add3A_111 : vector<4096x80xf32>
    %neg3A_113 = arith.constant 0.000000e+00 : f32
    %neg3A_114 = vector.broadcast %neg3A_113 : f32 to vector<4096x80xf32>
    %neg3A_115 = arith.subf %neg3A_114, %add3A_112 : vector<4096x80xf32>
    %exp3A_116 = math.exp %neg3A_115 : vector<4096x80xf32>
    %add3A_117 = arith.constant 1.000000e+00 : f32
    %add3A_118 = vector.broadcast %add3A_117 : f32 to vector<4096x80xf32>
    %add3A_119 = arith.addf %add3A_118, %exp3A_116 : vector<4096x80xf32>
    %div3A_120 = arith.constant 1.000000e+00 : f32
    %div3A_121 = vector.broadcast %div3A_120 : f32 to vector<4096x80xf32>
    %div3A_122 = arith.divf %div3A_121, %add3A_119 : vector<4096x80xf32>
    %mul3A_123 = arith.mulf %add3A_112, %div3A_122 : vector<4096x80xf32>
    %broadcast_in_dim3A_124 = arith.constant -1 : i32
    %broadcast_in_dim3A_125 = vector.broadcast %broadcast_in_dim3A_124 : i32 to vector<1x1xi32>
    %slice3A_126 = vector.extract_strided_slice %get3A_1 {offsets = [0, 0], sizes = [1, 4095], strides = [1, 1]} : vector<1x4096xi32> to vector<1x4095xi32>
    %concatenate3A_127 = tpu.concatenate %broadcast_in_dim3A_125, %slice3A_126 in 1 : vector<1x1xi32>, vector<1x4095xi32> -> vector<1x4096xi32>
    %eq3A_128 = arith.cmpi eq, %get3A_1, %concatenate3A_127 : vector<1x4096xi32>
    %convert_element_type3A_129 = arith.extui %eq3A_128 : vector<1x4096xi1> to vector<1x4096xi32>
    %convert_element_type3A_130 = arith.sitofp %convert_element_type3A_129 : vector<1x4096xi32> to vector<1x4096xf32>
    %broadcast_in_dim3A_131 = arith.constant -1 : i32
    %broadcast_in_dim3A_132 = vector.broadcast %broadcast_in_dim3A_131 : i32 to vector<1x2xi32>
    %slice3A_133 = vector.extract_strided_slice %get3A_1 {offsets = [0, 0], sizes = [1, 4094], strides = [1, 1]} : vector<1x4096xi32> to vector<1x4094xi32>
    %concatenate3A_134 = tpu.concatenate %broadcast_in_dim3A_132, %slice3A_133 in 1 : vector<1x2xi32>, vector<1x4094xi32> -> vector<1x4096xi32>
    %eq3A_135 = arith.cmpi eq, %get3A_1, %concatenate3A_134 : vector<1x4096xi32>
    %convert_element_type3A_136 = arith.extui %eq3A_135 : vector<1x4096xi1> to vector<1x4096xi32>
    %convert_element_type3A_137 = arith.sitofp %convert_element_type3A_136 : vector<1x4096xi32> to vector<1x4096xf32>
    %broadcast_in_dim3A_138 = arith.constant -1 : i32
    %broadcast_in_dim3A_139 = vector.broadcast %broadcast_in_dim3A_138 : i32 to vector<1x4xi32>
    %slice3A_140 = vector.extract_strided_slice %get3A_1 {offsets = [0, 0], sizes = [1, 4092], strides = [1, 1]} : vector<1x4096xi32> to vector<1x4092xi32>
    %concatenate3A_141 = tpu.concatenate %broadcast_in_dim3A_139, %slice3A_140 in 1 : vector<1x4xi32>, vector<1x4092xi32> -> vector<1x4096xi32>
    %eq3A_142 = arith.cmpi eq, %get3A_1, %concatenate3A_141 : vector<1x4096xi32>
    %convert_element_type3A_143 = arith.extui %eq3A_142 : vector<1x4096xi1> to vector<1x4096xi32>
    %convert_element_type3A_144 = arith.sitofp %convert_element_type3A_143 : vector<1x4096xi32> to vector<1x4096xf32>
    %broadcast_in_dim3A_145 = arith.constant -1 : i32
    %broadcast_in_dim3A_146 = vector.broadcast %broadcast_in_dim3A_145 : i32 to vector<1x8xi32>
    %slice3A_147 = vector.extract_strided_slice %get3A_1 {offsets = [0, 0], sizes = [1, 4088], strides = [1, 1]} : vector<1x4096xi32> to vector<1x4088xi32>
    %concatenate3A_148 = tpu.concatenate %broadcast_in_dim3A_146, %slice3A_147 in 1 : vector<1x8xi32>, vector<1x4088xi32> -> vector<1x4096xi32>
    %eq3A_149 = arith.cmpi eq, %get3A_1, %concatenate3A_148 : vector<1x4096xi32>
    %convert_element_type3A_150 = arith.extui %eq3A_149 : vector<1x4096xi1> to vector<1x4096xi32>
    %convert_element_type3A_151 = arith.sitofp %convert_element_type3A_150 : vector<1x4096xi32> to vector<1x4096xf32>
    %concatenate3A_152 = tpu.concatenate %convert_element_type3A_130, %convert_element_type3A_137, %convert_element_type3A_144, %convert_element_type3A_151 in 0 : vector<1x4096xf32>, vector<1x4096xf32>, vector<1x4096xf32>, vector<1x4096xf32> -> vector<4x4096xf32>
    %transpose3A_153 = tpu.transpose %concatenate3A_152, [1, 0] : vector<4x4096xf32> -> vector<4096x4xf32>
    %concatenate3A_154 = tpu.concatenate %transpose3A, %mul3A_123, %transpose3A_153 in 1 : vector<4096x32xf32>, vector<4096x80xf32>, vector<4096x4xf32> -> vector<4096x116xf32>
    %get3A_155 = arith.constant 0 : index
    %get3A_156 = arith.constant 0 : index
    %get3A_157 = vector.load %arg8[%get3A_155, %get3A_156] : memref<116x32xf32, #tpu.memory_space<vmem>>, vector<116x32xf32>
    %dot_general3A_158 = arith.constant dense<0.000000e+00> : vector<4096x32xf32>
    %dot_general3A_159 = tpu.matmul %concatenate3A_154, %get3A_157, %dot_general3A_158 {dimension_numbers = #tpu.dot_dimension_numbers<[1], [0], [0], [1], [0, 0, 1, 1], [], []>, transpose_lhs_hint = false} : vector<4096x116xf32>, vector<116x32xf32>, vector<4096x32xf32> -> vector<4096x32xf32>
    %get3A_160 = arith.constant 0 : index
    %get3A_161 = arith.constant 0 : index
    %get3A_162 = vector.load %arg9[%get3A_160, %get3A_161] : memref<1x32xf32, #tpu.memory_space<vmem>>, vector<1x32xf32>
    %neg3A_163 = arith.constant 0.000000e+00 : f32
    %neg3A_164 = vector.broadcast %neg3A_163 : f32 to vector<1x32xf32>
    %neg3A_165 = arith.subf %neg3A_164, %get3A_162 : vector<1x32xf32>
    %exp3A_166 = math.exp %neg3A_165 : vector<1x32xf32>
    %add3A_167 = arith.constant 1.000000e+00 : f32
    %add3A_168 = vector.broadcast %add3A_167 : f32 to vector<1x32xf32>
    %add3A_169 = arith.addf %add3A_168, %exp3A_166 : vector<1x32xf32>
    %div3A_170 = arith.constant 1.000000e+00 : f32
    %div3A_171 = vector.broadcast %div3A_170 : f32 to vector<1x32xf32>
    %div3A_172 = arith.divf %div3A_171, %add3A_169 : vector<1x32xf32>
    %sub3A = arith.constant 1.000000e+00 : f32
    %sub3A_173 = vector.broadcast %sub3A : f32 to vector<1x32xf32>
    %sub3A_174 = arith.subf %sub3A_173, %div3A_172 : vector<1x32xf32>
    %mul3A_175 = vector.broadcast %sub3A_174 : vector<1x32xf32> to vector<4096x32xf32>
    %mul3A_176 = arith.mulf %mul3A_175, %dot_general3A_159 : vector<4096x32xf32>
    %broadcast_in_dim3A_177 = arith.constant 0.000000e+00 : f32
    %broadcast_in_dim3A_178 = vector.broadcast %broadcast_in_dim3A_177 : f32 to vector<1x32xf32>
    %slice3A_179 = vector.extract_strided_slice %mul3A_176 {offsets = [0, 0], sizes = [4095, 32], strides = [1, 1]} : vector<4096x32xf32> to vector<4095x32xf32>
    %concatenate3A_180 = tpu.concatenate %broadcast_in_dim3A_178, %slice3A_179 in 0 : vector<1x32xf32>, vector<4095x32xf32> -> vector<4096x32xf32>
    %mul3A_181 = vector.broadcast %div3A_172 : vector<1x32xf32> to vector<4096x32xf32>
    %mul3A_182 = arith.mulf %mul3A_181, %concatenate3A_180 : vector<4096x32xf32>
    %add3A_183 = arith.addf %mul3A_176, %mul3A_182 : vector<4096x32xf32>
    %mul3A_184 = arith.mulf %div3A_172, %div3A_172 : vector<1x32xf32>
    %broadcast_in_dim3A_185 = arith.constant 0.000000e+00 : f32
    %broadcast_in_dim3A_186 = vector.broadcast %broadcast_in_dim3A_185 : f32 to vector<2x32xf32>
    %slice3A_187 = vector.extract_strided_slice %add3A_183 {offsets = [0, 0], sizes = [4094, 32], strides = [1, 1]} : vector<4096x32xf32> to vector<4094x32xf32>
    %concatenate3A_188 = tpu.concatenate %broadcast_in_dim3A_186, %slice3A_187 in 0 : vector<2x32xf32>, vector<4094x32xf32> -> vector<4096x32xf32>
    %mul3A_189 = vector.broadcast %mul3A_184 : vector<1x32xf32> to vector<4096x32xf32>
    %mul3A_190 = arith.mulf %mul3A_189, %concatenate3A_188 : vector<4096x32xf32>
    %add3A_191 = arith.addf %add3A_183, %mul3A_190 : vector<4096x32xf32>
    %mul3A_192 = arith.mulf %mul3A_184, %mul3A_184 : vector<1x32xf32>
    %broadcast_in_dim3A_193 = arith.constant 0.000000e+00 : f32
    %broadcast_in_dim3A_194 = vector.broadcast %broadcast_in_dim3A_193 : f32 to vector<4x32xf32>
    %slice3A_195 = vector.extract_strided_slice %add3A_191 {offsets = [0, 0], sizes = [4092, 32], strides = [1, 1]} : vector<4096x32xf32> to vector<4092x32xf32>
    %concatenate3A_196 = tpu.concatenate %broadcast_in_dim3A_194, %slice3A_195 in 0 : vector<4x32xf32>, vector<4092x32xf32> -> vector<4096x32xf32>
    %mul3A_197 = vector.broadcast %mul3A_192 : vector<1x32xf32> to vector<4096x32xf32>
    %mul3A_198 = arith.mulf %mul3A_197, %concatenate3A_196 : vector<4096x32xf32>
    %add3A_199 = arith.addf %add3A_191, %mul3A_198 : vector<4096x32xf32>
    %mul3A_200 = arith.mulf %mul3A_192, %mul3A_192 : vector<1x32xf32>
    %broadcast_in_dim3A_201 = arith.constant 0.000000e+00 : f32
    %broadcast_in_dim3A_202 = vector.broadcast %broadcast_in_dim3A_201 : f32 to vector<8x32xf32>
    %slice3A_203 = vector.extract_strided_slice %add3A_199 {offsets = [0, 0], sizes = [4088, 32], strides = [1, 1]} : vector<4096x32xf32> to vector<4088x32xf32>
    %concatenate3A_204 = tpu.concatenate %broadcast_in_dim3A_202, %slice3A_203 in 0 : vector<8x32xf32>, vector<4088x32xf32> -> vector<4096x32xf32>
    %mul3A_205 = vector.broadcast %mul3A_200 : vector<1x32xf32> to vector<4096x32xf32>
    %mul3A_206 = arith.mulf %mul3A_205, %concatenate3A_204 : vector<4096x32xf32>
    %add3A_207 = arith.addf %add3A_199, %mul3A_206 : vector<4096x32xf32>
    %mul3A_208 = arith.mulf %mul3A_200, %mul3A_200 : vector<1x32xf32>
    %broadcast_in_dim3A_209 = arith.constant 0.000000e+00 : f32
    %broadcast_in_dim3A_210 = vector.broadcast %broadcast_in_dim3A_209 : f32 to vector<16x32xf32>
    %slice3A_211 = vector.extract_strided_slice %add3A_207 {offsets = [0, 0], sizes = [4080, 32], strides = [1, 1]} : vector<4096x32xf32> to vector<4080x32xf32>
    %concatenate3A_212 = tpu.concatenate %broadcast_in_dim3A_210, %slice3A_211 in 0 : vector<16x32xf32>, vector<4080x32xf32> -> vector<4096x32xf32>
    %mul3A_213 = vector.broadcast %mul3A_208 : vector<1x32xf32> to vector<4096x32xf32>
    %mul3A_214 = arith.mulf %mul3A_213, %concatenate3A_212 : vector<4096x32xf32>
    %add3A_215 = arith.addf %add3A_207, %mul3A_214 : vector<4096x32xf32>
    %mul3A_216 = arith.mulf %mul3A_208, %mul3A_208 : vector<1x32xf32>
    %broadcast_in_dim3A_217 = arith.constant 0.000000e+00 : f32
    %broadcast_in_dim3A_218 = vector.broadcast %broadcast_in_dim3A_217 : f32 to vector<32x32xf32>
    %slice3A_219 = vector.extract_strided_slice %add3A_215 {offsets = [0, 0], sizes = [4064, 32], strides = [1, 1]} : vector<4096x32xf32> to vector<4064x32xf32>
    %concatenate3A_220 = tpu.concatenate %broadcast_in_dim3A_218, %slice3A_219 in 0 : vector<32x32xf32>, vector<4064x32xf32> -> vector<4096x32xf32>
    %mul3A_221 = vector.broadcast %mul3A_216 : vector<1x32xf32> to vector<4096x32xf32>
    %mul3A_222 = arith.mulf %mul3A_221, %concatenate3A_220 : vector<4096x32xf32>
    %add3A_223 = arith.addf %add3A_215, %mul3A_222 : vector<4096x32xf32>
    %mul3A_224 = arith.mulf %mul3A_216, %mul3A_216 : vector<1x32xf32>
    %broadcast_in_dim3A_225 = arith.constant 0.000000e+00 : f32
    %broadcast_in_dim3A_226 = vector.broadcast %broadcast_in_dim3A_225 : f32 to vector<64x32xf32>
    %slice3A_227 = vector.extract_strided_slice %add3A_223 {offsets = [0, 0], sizes = [4032, 32], strides = [1, 1]} : vector<4096x32xf32> to vector<4032x32xf32>
    %concatenate3A_228 = tpu.concatenate %broadcast_in_dim3A_226, %slice3A_227 in 0 : vector<64x32xf32>, vector<4032x32xf32> -> vector<4096x32xf32>
    %mul3A_229 = vector.broadcast %mul3A_224 : vector<1x32xf32> to vector<4096x32xf32>
    %mul3A_230 = arith.mulf %mul3A_229, %concatenate3A_228 : vector<4096x32xf32>
    %add3A_231 = arith.addf %add3A_223, %mul3A_230 : vector<4096x32xf32>
    %mul3A_232 = arith.mulf %mul3A_224, %mul3A_224 : vector<1x32xf32>
    %broadcast_in_dim3A_233 = arith.constant 0.000000e+00 : f32
    %broadcast_in_dim3A_234 = vector.broadcast %broadcast_in_dim3A_233 : f32 to vector<128x32xf32>
    %slice3A_235 = vector.extract_strided_slice %add3A_231 {offsets = [0, 0], sizes = [3968, 32], strides = [1, 1]} : vector<4096x32xf32> to vector<3968x32xf32>
    %concatenate3A_236 = tpu.concatenate %broadcast_in_dim3A_234, %slice3A_235 in 0 : vector<128x32xf32>, vector<3968x32xf32> -> vector<4096x32xf32>
    %mul3A_237 = vector.broadcast %mul3A_232 : vector<1x32xf32> to vector<4096x32xf32>
    %mul3A_238 = arith.mulf %mul3A_237, %concatenate3A_236 : vector<4096x32xf32>
    %add3A_239 = arith.addf %add3A_231, %mul3A_238 : vector<4096x32xf32>
    %mul3A_240 = arith.mulf %mul3A_232, %mul3A_232 : vector<1x32xf32>
    %broadcast_in_dim3A_241 = arith.constant 0.000000e+00 : f32
    %broadcast_in_dim3A_242 = vector.broadcast %broadcast_in_dim3A_241 : f32 to vector<256x32xf32>
    %slice3A_243 = vector.extract_strided_slice %add3A_239 {offsets = [0, 0], sizes = [3840, 32], strides = [1, 1]} : vector<4096x32xf32> to vector<3840x32xf32>
    %concatenate3A_244 = tpu.concatenate %broadcast_in_dim3A_242, %slice3A_243 in 0 : vector<256x32xf32>, vector<3840x32xf32> -> vector<4096x32xf32>
    %mul3A_245 = vector.broadcast %mul3A_240 : vector<1x32xf32> to vector<4096x32xf32>
    %mul3A_246 = arith.mulf %mul3A_245, %concatenate3A_244 : vector<4096x32xf32>
    %add3A_247 = arith.addf %add3A_239, %mul3A_246 : vector<4096x32xf32>
    %mul3A_248 = arith.mulf %mul3A_240, %mul3A_240 : vector<1x32xf32>
    %broadcast_in_dim3A_249 = arith.constant 0.000000e+00 : f32
    %broadcast_in_dim3A_250 = vector.broadcast %broadcast_in_dim3A_249 : f32 to vector<512x32xf32>
    %slice3A_251 = vector.extract_strided_slice %add3A_247 {offsets = [0, 0], sizes = [3584, 32], strides = [1, 1]} : vector<4096x32xf32> to vector<3584x32xf32>
    %concatenate3A_252 = tpu.concatenate %broadcast_in_dim3A_250, %slice3A_251 in 0 : vector<512x32xf32>, vector<3584x32xf32> -> vector<4096x32xf32>
    %mul3A_253 = vector.broadcast %mul3A_248 : vector<1x32xf32> to vector<4096x32xf32>
    %mul3A_254 = arith.mulf %mul3A_253, %concatenate3A_252 : vector<4096x32xf32>
    %add3A_255 = arith.addf %add3A_247, %mul3A_254 : vector<4096x32xf32>
    %mul3A_256 = arith.mulf %mul3A_248, %mul3A_248 : vector<1x32xf32>
    %broadcast_in_dim3A_257 = arith.constant 0.000000e+00 : f32
    %broadcast_in_dim3A_258 = vector.broadcast %broadcast_in_dim3A_257 : f32 to vector<1024x32xf32>
    %slice3A_259 = vector.extract_strided_slice %add3A_255 {offsets = [0, 0], sizes = [3072, 32], strides = [1, 1]} : vector<4096x32xf32> to vector<3072x32xf32>
    %concatenate3A_260 = tpu.concatenate %broadcast_in_dim3A_258, %slice3A_259 in 0 : vector<1024x32xf32>, vector<3072x32xf32> -> vector<4096x32xf32>
    %mul3A_261 = vector.broadcast %mul3A_256 : vector<1x32xf32> to vector<4096x32xf32>
    %mul3A_262 = arith.mulf %mul3A_261, %concatenate3A_260 : vector<4096x32xf32>
    %add3A_263 = arith.addf %add3A_255, %mul3A_262 : vector<4096x32xf32>
    %mul3A_264 = arith.mulf %mul3A_256, %mul3A_256 : vector<1x32xf32>
    %broadcast_in_dim3A_265 = arith.constant 0.000000e+00 : f32
    %broadcast_in_dim3A_266 = vector.broadcast %broadcast_in_dim3A_265 : f32 to vector<2048x32xf32>
    %slice3A_267 = vector.extract_strided_slice %add3A_263 {offsets = [0, 0], sizes = [2048, 32], strides = [1, 1]} : vector<4096x32xf32> to vector<2048x32xf32>
    %concatenate3A_268 = tpu.concatenate %broadcast_in_dim3A_266, %slice3A_267 in 0 : vector<2048x32xf32>, vector<2048x32xf32> -> vector<4096x32xf32>
    %mul3A_269 = vector.broadcast %mul3A_264 : vector<1x32xf32> to vector<4096x32xf32>
    %mul3A_270 = arith.mulf %mul3A_269, %concatenate3A_268 : vector<4096x32xf32>
    %add3A_271 = arith.addf %add3A_263, %mul3A_270 : vector<4096x32xf32>
    %get3A_272 = arith.constant 0 : index
    %get3A_273 = arith.constant 0 : index
    %get3A_274 = vector.load %arg10[%get3A_272, %get3A_273] : memref<32x116xf32, #tpu.memory_space<vmem>>, vector<32x116xf32>
    %dot_general3A_275 = arith.constant dense<0.000000e+00> : vector<4096x116xf32>
    %dot_general3A_276 = tpu.matmul %add3A_271, %get3A_274, %dot_general3A_275 {dimension_numbers = #tpu.dot_dimension_numbers<[1], [0], [0], [1], [0, 0, 1, 1], [], []>, transpose_lhs_hint = false} : vector<4096x32xf32>, vector<32x116xf32>, vector<4096x116xf32> -> vector<4096x116xf32>
    %add3A_277 = arith.addf %concatenate3A_154, %dot_general3A_276 : vector<4096x116xf32>
    %get3A_278 = arith.constant 0 : index
    %get3A_279 = arith.constant 0 : index
    %get3A_280 = vector.load %arg11[%get3A_278, %get3A_279] : memref<116x256xf32, #tpu.memory_space<vmem>>, vector<116x256xf32>
    %dot_general3A_281 = arith.constant dense<0.000000e+00> : vector<4096x256xf32>
    %dot_general3A_282 = tpu.matmul %add3A_277, %get3A_280, %dot_general3A_281 {dimension_numbers = #tpu.dot_dimension_numbers<[1], [0], [0], [1], [0, 0, 1, 1], [], []>, transpose_lhs_hint = false} : vector<4096x116xf32>, vector<116x256xf32>, vector<4096x256xf32> -> vector<4096x256xf32>
    %get3A_283 = arith.constant 0 : index
    %get3A_284 = arith.constant 0 : index
    %get3A_285 = vector.load %arg12[%get3A_283, %get3A_284] : memref<1x256xf32, #tpu.memory_space<vmem>>, vector<1x256xf32>
    %add3A_286 = vector.broadcast %get3A_285 : vector<1x256xf32> to vector<4096x256xf32>
    %add3A_287 = arith.addf %dot_general3A_282, %add3A_286 : vector<4096x256xf32>
    %swap3A = arith.constant 0 : index
    %swap3A_288 = arith.constant 0 : index
    %swap3A_289 = arith.constant 0 : index
    %swap3A_290 = vector.load %arg13[%swap3A, %swap3A_288, %swap3A_289] : memref<1x4096x256xf32, #tpu.memory_space<vmem>>, vector<1x4096x256xf32>
    %swap3A_291 = vector.shape_cast %swap3A_290 : vector<1x4096x256xf32> to vector<4096x256xf32>
    %swap3A_292 = vector.shape_cast %add3A_287 : vector<4096x256xf32> to vector<1x4096x256xf32>
    tpu.vector_store %arg13[%swap3A, %swap3A_288, %swap3A_289], %swap3A_292 {strides = array<i32>} : memref<1x4096x256xf32, #tpu.memory_space<vmem>>, vector<1x4096x256xf32>,
    return
  }
  func.func @transform_0(%arg0: i32) -> (i32, i32) {
    %c0_i32 = arith.constant 0 : i32
    %c0_i32_0 = arith.constant 0 : i32
    %c0_i32_1 = arith.constant 0 : i32
    return %c0_i32, %c0_i32_0 : i32, i32
  }
  func.func @transform_1(%arg0: i32) -> (i32, i32, i32) {
    %c0_i32 = arith.constant 0 : i32
    %c0_i32_0 = arith.constant 0 : i32
    %c0_i32_1 = arith.constant 0 : i32
    return %arg0, %c0_i32, %c0_i32_0 : i32, i32, i32
  }
  func.func @transform_2(%arg0: i32) -> (i32, i32, i32) {
    %c0_i32 = arith.constant 0 : i32
    %c0_i32_0 = arith.constant 0 : i32
    %c0_i32_1 = arith.constant 0 : i32
    return %arg0, %c0_i32, %c0_i32_0 : i32, i32, i32
  }
  func.func @transform_3(%arg0: i32) -> (i32, i32) {
    %c0_i32 = arith.constant 0 : i32
    %c0_i32_0 = arith.constant 0 : i32
    %c0_i32_1 = arith.constant 0 : i32
    return %c0_i32, %c0_i32_0 : i32, i32
  }
  func.func @transform_4(%arg0: i32) -> (i32, i32) {
    %c0_i32 = arith.constant 0 : i32
    %c0_i32_0 = arith.constant 0 : i32
    %c0_i32_1 = arith.constant 0 : i32
    return %c0_i32, %c0_i32_0 : i32, i32
  }
  func.func @transform_5(%arg0: i32) -> (i32, i32) {
    %c0_i32 = arith.constant 0 : i32
    %c0_i32_0 = arith.constant 0 : i32
    %c0_i32_1 = arith.constant 0 : i32
    return %c0_i32, %c0_i32_0 : i32, i32
  }
  func.func @transform_6(%arg0: i32) -> (i32, i32) {
    %c0_i32 = arith.constant 0 : i32
    %c0_i32_0 = arith.constant 0 : i32
    %c0_i32_1 = arith.constant 0 : i32
    return %c0_i32, %c0_i32_0 : i32, i32
  }
  func.func @transform_7(%arg0: i32) -> (i32, i32) {
    %c0_i32 = arith.constant 0 : i32
    %c0_i32_0 = arith.constant 0 : i32
    %c0_i32_1 = arith.constant 0 : i32
    return %c0_i32, %c0_i32_0 : i32, i32
  }
  func.func @transform_8(%arg0: i32) -> (i32, i32) {
    %c0_i32 = arith.constant 0 : i32
    %c0_i32_0 = arith.constant 0 : i32
    %c0_i32_1 = arith.constant 0 : i32
    return %c0_i32, %c0_i32_0 : i32, i32
  }
  func.func @transform_9(%arg0: i32) -> (i32, i32) {
    %c0_i32 = arith.constant 0 : i32
    %c0_i32_0 = arith.constant 0 : i32
    %c0_i32_1 = arith.constant 0 : i32
    return %c0_i32, %c0_i32_0 : i32, i32
  }
  func.func @transform_10(%arg0: i32) -> (i32, i32) {
    %c0_i32 = arith.constant 0 : i32
    %c0_i32_0 = arith.constant 0 : i32
    %c0_i32_1 = arith.constant 0 : i32
    return %c0_i32, %c0_i32_0 : i32, i32
  }
  func.func @transform_11(%arg0: i32) -> (i32, i32) {
    %c0_i32 = arith.constant 0 : i32
    %c0_i32_0 = arith.constant 0 : i32
    %c0_i32_1 = arith.constant 0 : i32
    return %c0_i32, %c0_i32_0 : i32, i32
  }
  func.func @transform_12(%arg0: i32) -> (i32, i32, i32) {
    %c0_i32 = arith.constant 0 : i32
    %c0_i32_0 = arith.constant 0 : i32
    %c0_i32_1 = arith.constant 0 : i32
    return %arg0, %c0_i32, %c0_i32_0 : i32, i32, i32
  }
}

</mosaic_0001>

<sc_bundles>
// kernel: kernel.5.cloned.1.call-start
scs
__scs_entry_jumppad:
0x0: {  	(pc) =	sbr.rel $0x88, $3  }
0x1: {  	(tag) =	ssettag $0x0;
	lr =	simm.s32 $0x1  }
0x2: {  	[smem:$0x3F95] =	sst lr;
	_ =	strace $0xD0000000  }
0x3: {  	_ = 	snop  }
0x4: {  	_ = 	snop  }
0x5: {  	_ = 	snop  }
0x6: {  	_ = 	snop  }
0x7: {  	_ = 	snop  }
__scs_overlays_trampoline_lowered:
0x8: {  	[smem:$0x3FA4] =	sst s0  }
0x9: {  	[smem:$0x3FA5] =	sst s1  }
0xa: {  	[smem:$0x3FA6] =	sst s2  }
0xb: {  	[smem:$0x3FA7] =	sst s3  }
0xc: {  	[smem:$0x3FA8] =	sst s4  }
0xd: {  	[smem:$0x3FA9] =	sst s5  }
0xe: {  	[smem:$0x3FAA] =	sst s6  }
0xf: {  	[smem:$0x3FAB] =	sst s7  }
0x10: {  	[smem:$0x3FAC] =	sst s8  }
0x11: {  	[smem:$0x3FAD] =	sst s9;
	s0 =	simm.s32 @!p0 $0x0  }
0x12: {  	s1 =	sld [smem:$0x3F93];
	s0 =	simm.s32 @p0 $0x1  }
0x13: {  	[smem:$0x3FAE] =	sst s0;
	s0 =	simm.s32 @!p1 $0x0  }
0x14: {  	s2 =	sld [smem:$0x3F92];
	s0 =	simm.s32 @p1 $0x1  }
0x15: {  	[smem:$0x3FAF] =	sst s0;
	s0 =	simm.s32 @!p2 $0x0  }
0x16: {  	s3 =	sld [smem:$0x3FDB];
	s0 =	simm.s32 @p2 $0x1  }
0x17: {  	s4 =	simm.s32 $0x1BF5;
	[smem:$0x3FB1] =	sst s0  }
0x18: {  	s0 =	sld [smem:$0x3F94];
	_ =	swait.ge [sflag:s4], $0x0  }
0x19: {  	s7 =	sld [smem:$0x3F95]  }
0x1a: {  	s8 =	sadd.s32 $0xFFFFE003, lr  }
0x1b: {  	s9 =	sadd.s32 $0xFFFFFEF7, lr;
	s5 =	simm.s32 $0xFFFFFFFF;
	p2 =	slt.u32 s8, $0xFFFFF086  }
0x1c: {  	p1 =	slt.u32 s9, $0xF7A;
	s5 =	simm.s32 @!p2 $0x0  }
0x1d: {  	s5 =	simm.s32 @p1 $0x1;
	p0 =	seq.s32 s7, s2  }
0x1e: {  	s7 =	smul.u32 @!p0 $0xF7A, s2;
	p2 =	seq.s32 @!p0 s5, $0x0  }
0x1f: {  	s9 =	smul.u32 $0xF7A, s1;
	s8 =	simm.s32 @!p0 $0x1BF5;
	p2 =	por !p2, p0  }
0x20: {  	[sflag:s8] =	ssyncset.s32 @!p0 $0xFFFFF086;
	s6 =	sadd.s32 @!p0 s3, s7;
	s7 =	simm.s32 @!p0 $0x108  }
0x21: {  	s3 =	sadd.s32 s3, s9;
	s6 =	sadd.s32 @!p0 $0x88, s6;
	s7 =	simm.s32 @p2 $0x1082  }
0x22: {  	[simem:s7], [sflag:s8] =	dma.local @!p0 [hbm:s6], $0xF7A  }
0x23: {  	s9 =	sor.u32 $0xD0000000, s2;
	s6 =	simm.s32 $0x108;
	_ =	swait.ge @!p0 [sflag:s8], $0x0  }
0x24: {  	s3 =	sadd.s32 $0x88, s3;
	s6 =	simm.s32 @!p1 $0x1082;
	[sflag:s4] =	ssyncset.s32 $0xFFFFF086  }
0x25: {  	[simem:s6], [sflag:s4] =	dma.local [hbm:s3], $0xF7A  }
0x26: {  	[smem:$0x3F95] =	sst s1;
	(tag) =	ssettag s2;
	_ =	strace s9  }
0x27: {  	s1 =	sld [smem:$0x3FA5]  }
0x28: {  	s2 =	sld [smem:$0x3FA6]  }
0x29: {  	s4 =	sld [smem:$0x3FA8]  }
0x2a: {  	p0 =	seq.s32 s5, $0x0;
	s5 =	sld [smem:$0x3FA9]  }
0x2b: {  	s6 =	sld [smem:$0x3FAA]  }
0x2c: {  	s7 =	sld [smem:$0x3FAB]  }
0x2d: {  	s3 =	simm.s32 $0x108;
	s8 =	sld [smem:$0x3FAC]  }
0x2e: {  	s3 =	simm.s32 @!p0 $0x1082;
	s9 =	sld [smem:$0x3FAD]  }
0x2f: {  	lr =	sadd.s32 s0, s3;
	s0 =	sld [smem:$0x3FA4]  }
0x30: {  	s3 =	sld [smem:$0x3FA7]  }
0x31: {  	[smem:$0x3FB0] =	sst s10  }
0x32: {  	s10 =	sld [smem:$0x3FAE];
	_ =	sdelay $0x3  }
0x33: {  	p0 =	seq.s32 s10, $0x1;
	s10 =	sld [smem:$0x3FB0];
	_ =	sdelay $0x3  }
0x34: {  	[smem:$0x3FB0] =	sst s10  }
0x35: {  	s10 =	sld [smem:$0x3FAF];
	_ =	sdelay $0x3  }
0x36: {  	p1 =	seq.s32 s10, $0x1;
	s10 =	sld [smem:$0x3FB0];
	_ =	sdelay $0x3  }
0x37: {  	[smem:$0x3FB0] =	sst s10  }
0x38: {  	s10 =	sld [smem:$0x3FB1]  }
0x39: {  	_ = 	snop;
	(pc) =	sbr.ind lr, $3  }
0x3a: {  	_ = 	snop  }
0x3b: {  	_ = 	snop  }
0x3c: {  	p2 =	seq.s32 s10, $0x1;
	s10 =	sld [smem:$0x3FB0]  }
0x3d: {  	_ =	shalt  }
0x3e: {  	_ =	shalt  }
0x3f: {  	_ =	shalt  }
0x40: {  	_ =	shalt  }
0x41: {  	_ =	shalt  }
0x42: {  	_ =	shalt  }
0x43: {  	_ =	shalt  }
0x44: {  	_ =	shalt  }
0x45: {  	_ =	shalt  }
0x46: {  	_ =	shalt  }
0x47: {  	_ =	shalt  }
0x48: {  	_ =	shalt  }
0x49: {  	_ =	shalt  }
0x4a: {  	_ =	shalt  }
0x4b: {  	_ =	shalt  }
0x4c: {  	_ =	shalt  }
0x4d: {  	_ =	shalt  }
0x4e: {  	_ =	shalt  }
0x4f: {  	_ =	shalt  }
0x50: {  	_ =	shalt  }
0x51: {  	_ =	shalt  }
0x52: {  	_ =	shalt  }
0x53: {  	_ =	shalt  }
0x54: {  	_ =	shalt  }
0x55: {  	_ =	shalt  }
0x56: {  	_ =	shalt  }
0x57: {  	_ =	shalt  }
0x58: {  	_ =	shalt  }
0x59: {  	_ =	shalt  }
0x5a: {  	_ =	shalt  }
0x5b: {  	_ =	shalt  }
0x5c: {  	_ =	shalt  }
0x5d: {  	_ =	shalt  }
0x5e: {  	_ =	shalt  }
0x5f: {  	_ =	shalt  }
0x60: {  	_ =	shalt  }
0x61: {  	_ =	shalt  }
0x62: {  	_ =	shalt  }
0x63: {  	_ =	shalt  }
0x64: {  	_ =	shalt  }
0x65: {  	_ =	shalt  }
0x66: {  	_ =	shalt  }
0x67: {  	_ =	shalt  }
0x68: {  	_ =	shalt  }
0x69: {  	_ =	shalt  }
0x6a: {  	_ =	shalt  }
0x6b: {  	_ =	shalt  }
0x6c: {  	_ =	shalt  }
0x6d: {  	_ =	shalt  }
0x6e: {  	_ =	shalt  }
0x6f: {  	_ =	shalt  }
0x70: {  	_ =	shalt  }
0x71: {  	_ =	shalt  }
0x72: {  	_ =	shalt  }
0x73: {  	_ =	shalt  }
0x74: {  	_ =	shalt  }
0x75: {  	_ =	shalt  }
0x76: {  	_ =	shalt  }
0x77: {  	_ =	shalt  }
0x78: {  	_ =	shalt  }
0x79: {  	_ =	shalt  }
0x7a: {  	_ =	shalt  }
0x7b: {  	_ =	shalt  }
0x7c: {  	_ =	shalt  }
0x7d: {  	_ =	shalt  }
0x7e: {  	_ =	shalt  }
0x7f: {  	_ =	shalt  }
0x80: {  	_ =	shalt  }
0x81: {  	_ =	shalt  }
0x82: {  	_ =	shalt  }
0x83: {  	_ =	shalt  }
0x84: {  	_ =	shalt  }
0x85: {  	_ =	shalt  }
0x86: {  	_ =	shalt  }
0x87: {  	_ =	shalt  }
.Lfunc_end0:
.L_simem_size_0:
called_computation_lowered:
.L_overlay_start_0:
0x88: {  	s2 =	sld [smem:$0x3FD9]  }
0x89: {  	s3 =	sld [smem:$0x3FFE];
	_ =	sdelay $0x1  }
0x8a: {  	s1 =	srdreg.scid  }
0x8b: {  	s0 =	sand.u32 $0x1, s1  }
0x8c: {  	s17 =	sshll.u32 s0, $0xA;
	s2 =	sadd.s32 s3, s2  }
0x8d: {  	s2 =	sadd.s32 s2, s17  }
0x8e: {  	[smem:$0x3FBC] =	sst s2  }
0x8f: {  	_ = 	snop  }
0x90: {  	s2 =	sld [smem:$0x3FD0];
	(tm) =	ssettm $0x1  }
0x91: {  	s18 =	sld [smem:$0x3FFB];
	_ =	sdelay $0x3  }
0x92: {  	_ =	strace s18  }
0x93: {  	s3 =	sld [smem:$0x3FFC];
	_ =	sdelay $0x3  }
0x94: {  	_ =	strace s3  }
0x95: {  	s3 =	sld [smem:$0x3FFD];
	_ =	sdelay $0x3  }
0x96: {  	_ =	strace s3  }
0x97: {  	_ =	strace $0x8FFFFFFF  }
0x98: {  	s19 =	sld [smem:$0x3FDB];
	_ =	sdelay $0x1  }
0x99: {  	s4 =	simm.s32 $_scs_section_size  }
0x9a: {  	s5 =	simm.s32 $_size__tile_overlayer_lowered;
	s6 =	simm.s32 $_tile_overlayer_lowered  }
0x9b: {  	s22 =	simm.s32 $0x1BFF;
	s21 =	sshll.u32 s6, $0x1;
	s3 =	sadd.s32 s4, s19  }
0x9c: {  	s7 =	simm.s32 $0x0;
	s20 =	sshll.u32 s5, $0x1;
	s5 =	sadd.s32 s21, s3  }
0x9d: {  	[timem:s7], [sflag:s22] =	dma.local [hbm:s5], s20  }
0x9e: {  	_ =	swait.ge [sflag:s22], s20  }
0x9f: {  	s4 =	ssub.s32 $0x0, s20;
	[sflag:s22] =	ssyncset.done $0x0  }
0xa0: {  	[sflag:s22] =	ssyncadd.s32 s4;
	_ =	sdelay $0x1  }
0xa1: {  	s23 =	simm.s32 $0x1B8B  }
0xa2: {  	_ =	swait.ge [sflag:s23], $0x1  }
0xa3: {  	[sflag:s23] =	ssyncset.done $0x0  }
0xa4: {  	s25 =	simm.s32 $0x1B8E;
	s24 =	sld [smem:$0x3FFE];
	[sflag:s23] =	ssyncadd.s32 $0xFFFFFFFF  }
0xa5: {  	s26 =	simm.s32 $execute0_lowered;
	[smem:$0x3FD2] =	sst s25  }
0xa6: {  	s5 =	sshll.u32 s26, $0x1;
	_ =	strace $0x80000046;
	[dreg:$0x1] =	wrdreg $0xFFFFFFFF  }
0xa7: {  	s28 =	simm.s32 $_size_execute0_lowered;
	s3 =	sadd.s32 s3, s5;
	[dreg:$0x0] =	wrdreg $0x0  }
0xa8: {  	s5 =	sshll.u32 s28, $0x1;
	[dreg:$0x2] =	wrdreg s3  }
0xa9: {  	[dreg:$0x3] =	wrdreg s5  }
0xaa: {  	[dreg:$0x4] =	wrdreg $0xC0  }
0xab: {  	_ =	task [dreg:s7], $0x5FFFF  }
0xac: {  	[dreg:$0x1] =	wrdreg $0xFFFFFFFF  }
0xad: {  	[dreg:$0x0] =	wrdreg $0x60  }
0xae: {  	[dreg:$0x2] =	wrdreg s24  }
0xaf: {  	[dreg:$0x3] =	wrdreg s2  }
0xb0: {  	[dreg:$0x4] =	wrdreg $0x9  }
0xb1: {  	_ =	task.clear_ibuf [dreg:s7], $0x5FFFF;
	_ =	strace $0x90000046  }
0xb2: {  	s29 =	simm.s32 $0x9;
	_ =	strace $0x80000048  }
0xb3: {  	_ =	swait.ge [sflag:s29], $0x1  }
0xb4: {  	[sflag:s29] =	ssyncadd.s32 $0xFFFFFFFF  }
0xb5: {  	_ =	strace $0x90000048  }
0xb6: {  	_ =	sfence  }
0xb7: {  	s30 =	sld [smem:$0x0];
	_ =	sdelay $0x2  }
0xb8: {  	s31 =	sshll.u32 s1, $0xD;
	s1 =	sshrl.u32 s1, $0x2  }
0xb9: {  	s3 =	sand.u32 $0x4000, s31;
	s1 =	sadd.s32 s1, s30  }
0xba: {  	s0 =	sor.u32 s3, s0;
	s1 =	sshll.u32 s1, $0x11  }
0xbb: {  	s0 =	sor.u32 s1, s0  }
0xbc: {  	s0 =	sadd.s32 $0x8F2B, s0  }
0xbd: {  	[sflag:s0] =	ssyncadd.remote.s32 $0x1  }
0xbe: {  	_ =	sfence.sel $0xFFFF  }
0xbf: {  	[dreg:$0x0] =	wrdreg $0xFFFFFFFF;
	(pc) =	sbr.abs _section_cstart, $3  }
0xc0: {  	[dreg:$0x1] =	wrdreg $0xFFFFFFFF  }
0xc1: {  	_ =	task.clear_ibuf [dreg:s7], $0x2FFFF;
	_ =	strace $0x9FFFFFFF  }
0xc2: {  	(tm) =	ssettm $0x7FFFFFFF  }
0xc3: {  	_ =	shalt  }
tec
execute0_lowered:
.L_overlay_start_1:
0x0: {  	(tag) =	ssettag $0x1  }
0x1: {  	s4 =	rddreg [dreg:$0x0]  }
0x2: {  	s5 =	rddreg [dreg:$0x1]  }
0x3: {  	s0 =	rddreg [dreg:$0x2]  }
0x4: {  	s2 =	simm.s32 $0x0;
	s1 =	stileid.u32;
	s3 =	srdreg.scid  }
0x5: {  	s13 =	simm.s32 $0x11200;
	s14 =	simm.s32 $0x11080;
	s15 =	simm.s32 $0x11A00  }
0x6: {  	s16 =	simm.s32 $0x11100;
	s17 =	simm.s32 $0x12200;
	s18 =	simm.s32 $0x11180  }
0x7: {  	s19 =	simm.s32 $0x12A00;
	s20 =	simm.s32 $0x10;
	s21 =	simm.s32 $0x1000  }
0x8: {  	s6 =	sshll.u32 s1, $0x10;
	s7 =	sand.u32 $0x1, s3;
	s29 =	sshll.u32 s1, $0x1  }
0x9: {  	[smem:$0x7FF] =	sst s2;
	s3 =	sadd.s32 $0x102200, s4;
	s10 =	sshrl.u32 s1, $0x2  }
0xa: {  	s12 =	sand.u32 $0xE, s1;
	s6 =	sand.u32 $0xE0000, s6;
	s8 =	sor.u32 s7, s29  }
0xb: {  	_ =	strace $0x80000047;
	s11 =	sshll.u32 s10, $0x9;
	s10 =	sshll.u32 s10, $0xD  }
0xc: {  	s7 =	ssub.s32 $0x2, s7;
	s12 =	sadd.s32 s5, s12;
	s6 =	sadd.s32 s6, s4  }
0xd: {  	s9 =	sshll.u32 s8, $0x9;
	s11 =	sadd.s32 s11, s4;
	s10 =	sadd.s32 s10, s4  }
0xe: {  	s30 =	sshrl.u32 s7, $0x1;
	s31 =	sand.u32 $0x7, s8;
	s8 =	sshll.u32 s8, $0x10  }
0xf: {  	s9 =	sadd.s32 s9, s4;
	s7 =	ssub.s32 s7, s30;
	s22 =	sshll.u32 s31, $0xA  }
0x10: {  	s11 =	sadd.s32 $0x6200, s11;
	s8 =	sand.u32 $0x30000, s8;
	s5 =	sadd.s32 $0x802200, s6  }
0x11: {  	s23 =	sadd.s32 $0x6A00, s10;
	s10 =	simm.s32 $0x11000;
	s4 =	sadd.s32 $0x2200, s9  }
0x12: {  	s9 =	sshll.u32 s31, $0x6;
	s6 =	sadd.s32 s8, s12;
	s7 =	smax.u32 s7, $0x1  }
0x13: {  	s8 =	simm.s32 $0x2;
	s12 =	simm.s32 $0x1;
	s22 =	sadd.s32 s22, s23  }
0x14: {  	s23 =	simm.s32 $0x0;
	s9 =	sadd.s32 s9, s11;
	s11 =	simm.s32 $0x80  }
.LBB2_1:
0x15: {  	[tilespmem:s2], [sflag:$0x2] =	stream.linear.gather [hbm4b:s4+s2], $0x1000, $0x38;
	[tilespmem:$0x13200] =	vst v63  }
0x16: {  	_ =	swait.ge [sflag:s8], $0x1000  }
0x17: {  	[sflag:s8] =	ssyncset.done $0x0  }
0x18: {  	[sflag:s8] =	ssyncadd.s32 $0xFFFFF000  }
0x19: {  	[tilespmem:s10], [sflag:$0x2] =	stream.linear.gather [hbm4b:s9+s2], $0x200, $0x38;
	[tilespmem:$0x13200] =	vst v63  }
0x1a: {  	_ =	swait.ge [sflag:s8], $0x200  }
0x1b: {  	[sflag:s8] =	ssyncset.done $0x0  }
0x1c: {  	s24 =	simm.s32 $0x0;
	[sflag:s8] =	ssyncadd.s32 $0xFFFFFE00  }
0x1d: {  	[tilespmem:s21], [sflag:$0x1] =	stream.indirect.gather [hbm4b:s5+s11], $0x10, s24, s11, $0xb8;
	[tilespmem:$0x13200] =	vst v63  }
0x1e: {  	_ =	swait.ge [sflag:s12], $0x800  }
0x1f: {  	s25 =	simm.s32 $0x1000;
	s24 =	simm.s32 $0x200;
	[sflag:s12] =	ssyncset.done $0x0  }
.LBB2_2:
0x20: {  	s26 =	sshra.s32 s24, $0x2  }
0x21: {  	[sflag:s12] =	ssyncadd.s32 $0xFFFFF800;
	s25 =	sadd.s32 $0x800, s25;
	p0 =	sne.s32 s24, $0x3E00  }
0x22: {  	[tilespmem:s25], [sflag:$0x1] =	stream.indirect.gather [hbm4b:s5+s11], $0x10, s26, s11, $0xb8;
	[tilespmem:$0x13200] =	vst v63  }
.Ltmp0:
0x23: {  	_ = 	snop;
	(pc) =	sbr.rel @p0 .LBB2_2-.Ltmp0, $4  }
0x24: {  	_ = 	snop  }
0x25: {  	s24 =	sadd.s32 $0x200, s24  }
0x26: {  	_ =	swait.ge [sflag:s12], $0x800  }
0x27: {  	[sflag:s12] =	ssyncset.done $0x0  }
0x28: {  	[sflag:s12] =	ssyncadd.s32 $0xFFFFF800  }
0x29: {  	[tilespmem:s13], [sflag:$0x1] =	stream.indirect.gather [hbm4b:s3+s11], $0x10, s10, s11, $0xb8;
	[tilespmem:$0x13200] =	vst v63  }
0x2a: {  	_ =	swait.ge [sflag:s12], $0x800  }
0x2b: {  	[sflag:s12] =	ssyncset.done $0x0  }
0x2c: {  	[sflag:s12] =	ssyncadd.s32 $0xFFFFF800  }
0x2d: {  	[tilespmem:s15], [sflag:$0x1] =	stream.indirect.gather [hbm4b:s3+s11], $0x10, s14, s11, $0xb8;
	[tilespmem:$0x13200] =	vst v63  }
0x2e: {  	_ =	swait.ge [sflag:s12], $0x800  }
0x2f: {  	[sflag:s12] =	ssyncset.done $0x0  }
0x30: {  	[sflag:s12] =	ssyncadd.s32 $0xFFFFF800  }
0x31: {  	[tilespmem:s17], [sflag:$0x1] =	stream.indirect.gather [hbm4b:s3+s11], $0x10, s16, s11, $0xb8;
	[tilespmem:$0x13200] =	vst v63  }
0x32: {  	_ =	swait.ge [sflag:s12], $0x800  }
0x33: {  	[sflag:s12] =	ssyncset.done $0x0  }
0x34: {  	[sflag:s12] =	ssyncadd.s32 $0xFFFFF800  }
0x35: {  	[tilespmem:s19], [sflag:$0x1] =	stream.indirect.gather [hbm4b:s3+s11], $0x10, s18, s11, $0xb8;
	[tilespmem:$0x13200] =	vst v63  }
0x36: {  	_ =	swait.ge [sflag:s12], $0x800  }
0x37: {  	[sflag:s12] =	ssyncset.done $0x0  }
0x38: {  	[sflag:s12] =	ssyncadd.s32 $0xFFFFF800  }
0x39: {  	[hbm4b:s6+s20] =	stream.strided.scatter [tilespmem:s21], [sflag:$0x2], $0x10000, s11, s20, $0x38;
	[tilespmem:$0x13200] =	vst v63  }
0x3a: {  	s23 =	sadd.s32 $0x1, s23;
	_ =	swait.ge [sflag:s8], $0x10000  }
0x3b: {  	p0 =	sne.s32 s23, s7;
	[sflag:s8] =	ssyncset.done $0x0  }
.Ltmp1:
0x3c: {  	[sflag:s8] =	ssyncadd.s32 $0xFFFF0000;
	(pc) =	sbr.rel @p0 .LBB2_1-.Ltmp1, $4  }
0x3d: {  	[hbm4b:s22+s2] =	stream.linear.scatter [tilespmem:s13], [sflag:$0x2], $0x2000, $0x38;
	[tilespmem:$0x13200] =	vst v63  }
0x3e: {  	_ =	swait.ge [sflag:s8], $0x2000  }
0x3f: {  	[sflag:s8] =	ssyncset.done $0x0  }
0x40: {  	[sflag:s8] =	ssyncadd.s32 $0xFFFFE000  }
0x41: {  	_ =	sfence.sel $0x180000  }
0x42: {  	[bflag:$0x0] =	sbarrier.arrive $0xFFFF  }
0x43: {  	p0 =	sne.s32 s1, $0x0;
	_ =	strace $0x90000047  }
0x44: {  	s0 =	sadd.s32 @!p0 $0x100000, s0;
	[bflag:$0x2] =	sbarrier.arrive $0xFFFF  }
0x45: {  	[sflag:s0] =	ssyncadd.tile.s32 @!p0 $0x1;
	_ =	shalt  }
.Lfunc_end2:
_tile_overlayer_lowered:
.L_overlay_start_2:
0x46: {  	(tag) =	ssettag $0x2  }
0x47: {  	s0 =	rddreg [dreg:$0x0];
	s2 =	stileid.u32  }
0x48: {  	s1 =	rddreg [dreg:$0x1];
	p0 =	sne.s32 s2, $0x0  }
0x49: {  	s3 =	rddreg [dreg:$0x2];
	[bflag:$0x3] =	sbarrier.arrive $0xFFFF;
	s2 =	simm.s32 @!p0 $0x1C02  }
0x4a: {  	[timem:s3], [sflag:s2] =	dma.local @!p0 [hbm:s0], s1  }
0x4b: {  	s0 =	simm.s32 @!p0 $0x2  }
0x4c: {  	_ =	swait.ge @!p0 [sflag:s0], s1  }
0x4d: {  	s1 =	ssub.s32 @!p0 $0x0, s1;
	[sflag:s0] =	ssyncset.done @!p0 $0x0  }
0x4e: {  	[sflag:s0] =	ssyncadd.s32 @!p0 s1  }
0x4f: {  	[bflag:$0x3] =	sbarrier.arrive $0xFFFF  }
0x50: {  	_ =	shalt  }

</sc_bundles>
